<compile_context>
chip_gen: v7x
topology: tpu7x:2x2x1
jax: 0.10.2.dev20260603
libtpu: 0.0.44.dev20260713+nightly
codegen_flags: <defaults>
</compile_context>

<pallas_src>
import functools

import jax
import jax.numpy as jnp
from jax import lax
from jax.experimental import pallas as pl
from jax.experimental.pallas import tpu as pltpu
from jax.experimental.pallas import tpu_sc as plsc

_A = 5
_C = 85
_G = 26
_GG = _G * _G
_ANCHORS_W = (0.57273, 1.87446, 3.33843, 7.88282, 9.77052)
_ANCHORS_H = (0.677385, 2.06253, 5.47434, 3.52778, 9.16828)


def _sigmoid(t):
    return 1.0 / (1.0 + jnp.exp(-t))


def _sc_decode(x_hbm, o_hbm, in_v, out_v):
    n_units = x_hbm.shape[0] * _A
    info = plsc.get_sparse_core_info()
    nw = info.num_cores * info.num_subcores
    per_w = n_units // nw
    wid = lax.axis_index("s") * info.num_cores + lax.axis_index("c")
    iota = lax.iota(jnp.int32, 16)
    zero = jnp.zeros((16,), jnp.int32)
    inv_g = jnp.float32(1.0 / _G)

    def unit_body(k, carry):
        u = wid * per_w + k
        nn = u // _A
        a = u - nn * _A
        pltpu.sync_copy(x_hbm.at[nn, a], in_v)
        pltpu.sync_copy(out_v, o_hbm.at[nn, a])
        return carry

        def ch_body(ch, _):
            cv = zero + ch

            @plsc.parallel_loop(0, 42, unroll=8)
            def j_body(jc):
                j0 = jc * 16
                s = _sigmoid(in_v[ch, pl.ds(j0, 16)])
                plsc.store_scatter(out_v, [j0 + iota, cv], s)

            s = _sigmoid(in_v[ch, pl.ds(_GG - 16, 16)])
            plsc.store_scatter(out_v, [(_GG - 16) + iota, cv], s)
            return _

        lax.fori_loop(0, _C, ch_body, 0)

        aw = jnp.float32(_ANCHORS_W[_A - 1] / _G)
        ah = jnp.float32(_ANCHORS_H[_A - 1] / _G)
        for i in range(_A - 2, -1, -1):
            aw = jnp.where(a == i, jnp.float32(_ANCHORS_W[i] / _G), aw)
            ah = jnp.where(a == i, jnp.float32(_ANCHORS_H[i] / _G), ah)

        def box_chunk(j0):
            jv = j0 + iota
            yi = jv // _G
            xi = jv - yi * _G
            t0 = in_v[0, pl.ds(j0, 16)]
            t1 = in_v[1, pl.ds(j0, 16)]
            t2 = in_v[2, pl.ds(j0, 16)]
            t3 = in_v[3, pl.ds(j0, 16)]
            v0 = (_sigmoid(t0) + xi.astype(jnp.float32)) * inv_g
            v1 = (_sigmoid(t1) + yi.astype(jnp.float32)) * inv_g
            v2 = jnp.exp(t2) * aw
            v3 = jnp.exp(t3) * ah
            plsc.store_scatter(out_v, [jv, zero], v0)
            plsc.store_scatter(out_v, [jv, zero + 1], v1)
            plsc.store_scatter(out_v, [jv, zero + 2], v2)
            plsc.store_scatter(out_v, [jv, zero + 3], v3)

        @plsc.parallel_loop(0, 42, unroll=4)
        def box_body(jc):
            box_chunk(jc * 16)

        box_chunk(jnp.int32(_GG - 16))

        pltpu.sync_copy(out_v, o_hbm.at[nn, a])
        return carry

    lax.fori_loop(0, per_w, unit_body, 0)


def kernel(x, seen):
    del seen
    n = x.shape[0]
    x4 = x.reshape(n, _A, _C, _GG)
    mesh = plsc.VectorSubcoreMesh(core_axis_name="c", subcore_axis_name="s")
    run = functools.partial(
        pl.kernel,
        mesh=mesh,
        out_type=jax.ShapeDtypeStruct((n, _A, _GG, _C), jnp.float32),
        scratch_types=[
            pltpu.VMEM((_C, _GG), jnp.float32),
            pltpu.VMEM((_GG, _C), jnp.float32),
        ],
        compiler_params=pltpu.CompilerParams(
            needs_layout_passes=False, use_tc_tiling_on_sc=False
        ),
    )(_sc_decode)
    return run(x4).reshape(n, _A * _GG, _C)

# --- scband reference (transcript-rebuilt; emitter-appended) ---
"""Pipeline reference for scband-region-loss-13443247636825 (READ-ONLY COPY).

The authoritative reference and input builder live on the scoring server;
editing this copy changes nothing except your own understanding.
"""

import jax, jax.numpy as jnp
import numpy as np

NUM_ANCHORS = 5
NUM_CLASSES = 80
ANCHORS = jnp.array([[0.57273, 0.677385], [1.87446, 2.06253], [3.33843, 5.47434], [7.88282, 3.52778], [9.77052, 9.16828]], dtype=jnp.float32)


def setup_inputs(seed: int = 0) -> dict:
    key = jax.random.key(seed)
    x = jax.random.normal(key, (64, NUM_ANCHORS * (NUM_CLASSES + 5), 26, 26), dtype=jnp.float32)
    return {"x": x, "seen": 20000}


def reference(x, seen):
    # Inference path of RegionLoss.forward (targets=None): returns decoded output.
    num_samples = x.shape[0]
    g = x.shape[2]
    prediction = x.reshape(num_samples, NUM_ANCHORS, NUM_CLASSES + 5, g, g).transpose(0, 1, 3, 4, 2)
    px = jax.nn.sigmoid(prediction[..., 0])
    py = jax.nn.sigmoid(prediction[..., 1])
    w = prediction[..., 2]
    h = prediction[..., 3]
    pred_conf = jax.nn.sigmoid(prediction[..., 4])
    pred_cls = jax.nn.sigmoid(prediction[..., 5:])
    grid_x = jnp.tile(jnp.arange(g, dtype=jnp.float32), (g, 1)).reshape(1, 1, g, g)
    grid_y = jnp.tile(jnp.arange(g, dtype=jnp.float32), (g, 1)).T.reshape(1, 1, g, g)
    anchor_w = ANCHORS[:, 0].reshape(1, NUM_ANCHORS, 1, 1)
    anchor_h = ANCHORS[:, 1].reshape(1, NUM_ANCHORS, 1, 1)
    bx = px + grid_x
    by = py + grid_y
    # torch uses w.data / h.data -> detached (stop_gradient)
    bw = jnp.exp(jax.lax.stop_gradient(w)) * anchor_w
    bh = jnp.exp(jax.lax.stop_gradient(h)) * anchor_h
    pred_boxes = jnp.stack([bx, by, bw, bh], axis=-1)
    output = jnp.concatenate([
        pred_boxes.reshape(num_samples, -1, 4) / g,
        pred_conf.reshape(num_samples, -1, 1),
        pred_cls.reshape(num_samples, -1, NUM_CLASSES),
    ], axis=-1)
    return output

if __name__ == "__main__":
    import jax
    _d = setup_inputs()
    print(jax.jit(kernel)(*tuple(_d.values())))

</pallas_src>

<mosaic_0001>
#map = affine_map<(d0, d1) -> (0, 0, 0, 0)>
module attributes {stable_mosaic.version = 14 : i64} {
  func.func @_sc_decode(%arg0: i32, %arg1: i32, %arg2: memref<64x5x85x676xf32, #tpu.memory_space<hbm>>, %arg3: memref<64x5x676x85xf32, #tpu.memory_space<hbm>>, %arg4: memref<85x676xf32, #tpu.memory_space<vmem>>, %arg5: memref<676x85xf32, #tpu.memory_space<vmem>>) attributes {dimension_semantics = [#tpu.dimension_semantics<core_parallel>, #tpu.dimension_semantics<subcore_parallel>], iteration_bounds = array<i64: 2, 16>, scalar_prefetch = 0 : i64, scratch_operands = 2 : i64, tpu.core_type = #tpu.core_type<sc_vector_subcore>, window_params = [{transform_indices = #map}, {transform_indices = #map}]} {
    %mul3A = arith.constant 2 : i32
    %mul3A_0 = arith.muli %arg1, %mul3A : i32
    %add3A = arith.addi %mul3A_0, %arg0 : i32
    %iota3A = tpu.iota {dimensions = array<i32: 0>} : vector<16xi32>
    %broadcast_in_dim3A = arith.constant 0 : i32
    %broadcast_in_dim3A_1 = vector.broadcast %broadcast_in_dim3A : i32 to vector<16xi32>
    %scan3A = arith.constant 0 : i32
    %scan3A_2 = arith.constant 0 : i32
    %scan3A_3 = arith.constant 10 : i32
    %scan3A_4 = arith.addi %scan3A_2, %scan3A_3 : i32
    %scan3A_5 = arith.constant 1 : i32
    scf.for %scan3A_7 = %scan3A_2 to %scan3A_4 step %scan3A_5  : i32 {
      %mul3A_8 = arith.constant 10 : i32
      %mul3A_9 = arith.muli %add3A, %mul3A_8 : i32
      %add3A_10 = arith.addi %mul3A_9, %scan3A_7 : i32
      %jit3A = arith.constant 5 : i32
      %div3A = arith.divsi %add3A_10, %jit3A : i32
      %sign3A = arith.constant 0 : i32
      %sign3A_11 = arith.cmpi sgt, %add3A_10, %sign3A : i32
      %sign3A_12 = arith.extui %sign3A_11 : i1 to i32
      %sign3A_13 = arith.constant 0 : i32
      %sign3A_14 = arith.cmpi slt, %add3A_10, %sign3A_13 : i32
      %sign3A_15 = arith.extui %sign3A_14 : i1 to i32
      %sign3A_16 = arith.subi %sign3A_12, %sign3A_15 : i32
      %sign3A_17 = arith.constant 0 : i32
      %sign3A_18 = arith.cmpi sgt, %jit3A, %sign3A_17 : i32
      %sign3A_19 = arith.extui %sign3A_18 : i1 to i32
      %sign3A_20 = arith.constant 0 : i32
      %sign3A_21 = arith.cmpi slt, %jit3A, %sign3A_20 : i32
      %sign3A_22 = arith.extui %sign3A_21 : i1 to i32
      %sign3A_23 = arith.subi %sign3A_19, %sign3A_22 : i32
      %ne3A = arith.cmpi ne, %sign3A_16, %sign3A_23 : i32
      %rem3A = arith.remsi %add3A_10, %jit3A : i32
      %ne3A_24 = arith.constant 0 : i32
      %ne3A_25 = arith.cmpi ne, %rem3A, %ne3A_24 : i32
      %and3A = arith.andi %ne3A, %ne3A_25 : i1
      %sub3A = arith.constant 1 : i32
      %sub3A_26 = arith.subi %div3A, %sub3A : i32
      %select_n3A = arith.select %and3A, %sub3A_26, %div3A : i32
      %mul3A_27 = arith.constant 5 : i32
      %mul3A_28 = arith.muli %select_n3A, %mul3A_27 : i32
      %sub3A_29 = arith.subi %add3A_10, %mul3A_28 : i32
      "tpu.region"() ({
        %run_scoped3A = tpu.sem_alloc : memref<!tpu.dma_semaphore, #tpu.memory_space<semaphore_mem>>
        %dma_start3A = arith.constant 0 : i32
        %dma_start3A_30 = arith.constant 0 : i32
        %dma_start3A_31 = tpu.memref_slice %arg2[%select_n3A, %sub3A_29, %dma_start3A, %dma_start3A_30] : memref<64x5x85x676xf32, #tpu.memory_space<hbm>> -> memref<1x1x85x676xf32, #tpu.memory_space<hbm>>
        %dma_start3A_32 = tpu.memref_squeeze %dma_start3A_31 : memref<1x1x85x676xf32, #tpu.memory_space<hbm>> -> memref<85x676xf32, #tpu.memory_space<hbm>>
        %dma_start3A_33 = arith.constant 0 : i32
        %dma_start3A_34 = arith.constant 0 : i32
        %dma_start3A_35 = tpu.memref_slice %arg2[%select_n3A, %sub3A_29, %dma_start3A_33, %dma_start3A_34] : memref<64x5x85x676xf32, #tpu.memory_space<hbm>> -> memref<1x1x85x676xf32, #tpu.memory_space<hbm>>
        %dma_start3A_36 = tpu.memref_squeeze %dma_start3A_35 : memref<1x1x85x676xf32, #tpu.memory_space<hbm>> -> memref<85x676xf32, #tpu.memory_space<hbm>>
        tpu.enqueue_dma source(%dma_start3A_36 : memref<85x676xf32, #tpu.memory_space<hbm>>) target(%arg4 : memref<85x676xf32, #tpu.memory_space<vmem>>) target_semaphore(%run_scoped3A : memref<!tpu.dma_semaphore, #tpu.memory_space<semaphore_mem>>)
        %dma_wait3A = arith.constant 0 : i32
        %dma_wait3A_37 = arith.constant 0 : i32
        %dma_wait3A_38 = tpu.memref_slice %arg2[%select_n3A, %sub3A_29, %dma_wait3A, %dma_wait3A_37] : memref<64x5x85x676xf32, #tpu.memory_space<hbm>> -> memref<1x1x85x676xf32, #tpu.memory_space<hbm>>
        %dma_wait3A_39 = tpu.memref_squeeze %dma_wait3A_38 : memref<1x1x85x676xf32, #tpu.memory_space<hbm>> -> memref<85x676xf32, #tpu.memory_space<hbm>>
        %dma_wait3A_40 = arith.constant 0 : i32
        %dma_wait3A_41 = arith.constant 0 : i32
        %dma_wait3A_42 = tpu.memref_slice %arg2[%select_n3A, %sub3A_29, %dma_wait3A_40, %dma_wait3A_41] : memref<64x5x85x676xf32, #tpu.memory_space<hbm>> -> memref<1x1x85x676xf32, #tpu.memory_space<hbm>>
        %dma_wait3A_43 = tpu.memref_squeeze %dma_wait3A_42 : memref<1x1x85x676xf32, #tpu.memory_space<hbm>> -> memref<85x676xf32, #tpu.memory_space<hbm>>
        tpu.wait_dma2 semaphore(%run_scoped3A : memref<!tpu.dma_semaphore, #tpu.memory_space<semaphore_mem>>) src(%dma_wait3A_43 : memref<85x676xf32, #tpu.memory_space<hbm>>) dst(%arg4 : memref<85x676xf32, #tpu.memory_space<vmem>>)
        tpu.yield
      }) : () -> ()
      "tpu.region"() ({
        %run_scoped3A = tpu.sem_alloc : memref<!tpu.dma_semaphore, #tpu.memory_space<semaphore_mem>>
        %dma_start3A = arith.constant 0 : i32
        %dma_start3A_30 = arith.constant 0 : i32
        %dma_start3A_31 = tpu.memref_slice %arg3[%select_n3A, %sub3A_29, %dma_start3A, %dma_start3A_30] : memref<64x5x676x85xf32, #tpu.memory_space<hbm>> -> memref<1x1x676x85xf32, #tpu.memory_space<hbm>>
        %dma_start3A_32 = tpu.memref_squeeze %dma_start3A_31 : memref<1x1x676x85xf32, #tpu.memory_space<hbm>> -> memref<676x85xf32, #tpu.memory_space<hbm>>
        %dma_start3A_33 = arith.constant 0 : i32
        %dma_start3A_34 = arith.constant 0 : i32
        %dma_start3A_35 = tpu.memref_slice %arg3[%select_n3A, %sub3A_29, %dma_start3A_33, %dma_start3A_34] : memref<64x5x676x85xf32, #tpu.memory_space<hbm>> -> memref<1x1x676x85xf32, #tpu.memory_space<hbm>>
        %dma_start3A_36 = tpu.memref_squeeze %dma_start3A_35 : memref<1x1x676x85xf32, #tpu.memory_space<hbm>> -> memref<676x85xf32, #tpu.memory_space<hbm>>
        tpu.enqueue_dma source(%arg5 : memref<676x85xf32, #tpu.memory_space<vmem>>) target(%dma_start3A_36 : memref<676x85xf32, #tpu.memory_space<hbm>>) target_semaphore(%run_scoped3A : memref<!tpu.dma_semaphore, #tpu.memory_space<semaphore_mem>>)
        %dma_wait3A = arith.constant 0 : i32
        %dma_wait3A_37 = arith.constant 0 : i32
        %dma_wait3A_38 = tpu.memref_slice %arg3[%select_n3A, %sub3A_29, %dma_wait3A, %dma_wait3A_37] : memref<64x5x676x85xf32, #tpu.memory_space<hbm>> -> memref<1x1x676x85xf32, #tpu.memory_space<hbm>>
        %dma_wait3A_39 = tpu.memref_squeeze %dma_wait3A_38 : memref<1x1x676x85xf32, #tpu.memory_space<hbm>> -> memref<676x85xf32, #tpu.memory_space<hbm>>
        %dma_wait3A_40 = arith.constant 0 : i32
        %dma_wait3A_41 = arith.constant 0 : i32
        %dma_wait3A_42 = tpu.memref_slice %arg3[%select_n3A, %sub3A_29, %dma_wait3A_40, %dma_wait3A_41] : memref<64x5x676x85xf32, #tpu.memory_space<hbm>> -> memref<1x1x676x85xf32, #tpu.memory_space<hbm>>
        %dma_wait3A_43 = tpu.memref_squeeze %dma_wait3A_42 : memref<1x1x676x85xf32, #tpu.memory_space<hbm>> -> memref<676x85xf32, #tpu.memory_space<hbm>>
        tpu.wait_dma2 semaphore(%run_scoped3A : memref<!tpu.dma_semaphore, #tpu.memory_space<semaphore_mem>>) src(%arg5 : memref<676x85xf32, #tpu.memory_space<vmem>>) dst(%dma_wait3A_43 : memref<676x85xf32, #tpu.memory_space<hbm>>)
        tpu.yield
      }) : () -> ()
    }
    %scan3A_6 = arith.constant 10 : i32
    return
  }
}

</mosaic_0001>

<sc_bundles>
// kernel: kernel.3.cloned.1.call-start
scs
__scs_entry_jumppad:
0x0: {  	(pc) =	sbr.rel $0x88, $3  }
0x1: {  	(tag) =	ssettag $0x0;
	lr =	simm.s32 $0x1  }
0x2: {  	[smem:$0x3FA0] =	sst lr;
	_ =	strace $0xD0000000  }
0x3: {  	_ = 	snop  }
0x4: {  	_ = 	snop  }
0x5: {  	_ = 	snop  }
0x6: {  	_ = 	snop  }
0x7: {  	_ = 	snop  }
__scs_overlays_trampoline_lowered:
0x8: {  	[smem:$0x3FAF] =	sst s0  }
0x9: {  	[smem:$0x3FB0] =	sst s1  }
0xa: {  	[smem:$0x3FB1] =	sst s2  }
0xb: {  	[smem:$0x3FB2] =	sst s3  }
0xc: {  	[smem:$0x3FB3] =	sst s4  }
0xd: {  	[smem:$0x3FB4] =	sst s5  }
0xe: {  	[smem:$0x3FB5] =	sst s6  }
0xf: {  	[smem:$0x3FB6] =	sst s7  }
0x10: {  	[smem:$0x3FB7] =	sst s8  }
0x11: {  	[smem:$0x3FB8] =	sst s9;
	s0 =	simm.s32 @!p0 $0x0  }
0x12: {  	s1 =	sld [smem:$0x3F9E];
	s0 =	simm.s32 @p0 $0x1  }
0x13: {  	[smem:$0x3FB9] =	sst s0;
	s0 =	simm.s32 @!p1 $0x0  }
0x14: {  	s2 =	sld [smem:$0x3F9D];
	s0 =	simm.s32 @p1 $0x1  }
0x15: {  	[smem:$0x3FBA] =	sst s0;
	s0 =	simm.s32 @!p2 $0x0  }
0x16: {  	s3 =	sld [smem:$0x3FDB];
	s0 =	simm.s32 @p2 $0x1  }
0x17: {  	s4 =	simm.s32 $0x1BF5;
	[smem:$0x3FBC] =	sst s0  }
0x18: {  	s0 =	sld [smem:$0x3F9F];
	_ =	swait.ge [sflag:s4], $0x0  }
0x19: {  	s7 =	sld [smem:$0x3FA0]  }
0x1a: {  	s8 =	sadd.s32 $0xFFFFE003, lr  }
0x1b: {  	s9 =	sadd.s32 $0xFFFFFEF7, lr;
	s5 =	simm.s32 $0xFFFFFFFF;
	p2 =	slt.u32 s8, $0xFFFFF086  }
0x1c: {  	p1 =	slt.u32 s9, $0xF7A;
	s5 =	simm.s32 @!p2 $0x0  }
0x1d: {  	s5 =	simm.s32 @p1 $0x1;
	p0 =	seq.s32 s7, s2  }
0x1e: {  	s7 =	smul.u32 @!p0 $0xF7A, s2;
	p2 =	seq.s32 @!p0 s5, $0x0  }
0x1f: {  	s9 =	smul.u32 $0xF7A, s1;
	s8 =	simm.s32 @!p0 $0x1BF5;
	p2 =	por !p2, p0  }
0x20: {  	[sflag:s8] =	ssyncset.s32 @!p0 $0xFFFFF086;
	s6 =	sadd.s32 @!p0 s3, s7;
	s7 =	simm.s32 @!p0 $0x108  }
0x21: {  	s3 =	sadd.s32 s3, s9;
	s6 =	sadd.s32 @!p0 $0x88, s6;
	s7 =	simm.s32 @p2 $0x1082  }
0x22: {  	[simem:s7], [sflag:s8] =	dma.local @!p0 [hbm:s6], $0xF7A  }
0x23: {  	s9 =	sor.u32 $0xD0000000, s2;
	s6 =	simm.s32 $0x108;
	_ =	swait.ge @!p0 [sflag:s8], $0x0  }
0x24: {  	s3 =	sadd.s32 $0x88, s3;
	s6 =	simm.s32 @!p1 $0x1082;
	[sflag:s4] =	ssyncset.s32 $0xFFFFF086  }
0x25: {  	[simem:s6], [sflag:s4] =	dma.local [hbm:s3], $0xF7A  }
0x26: {  	[smem:$0x3FA0] =	sst s1;
	(tag) =	ssettag s2;
	_ =	strace s9  }
0x27: {  	s1 =	sld [smem:$0x3FB0]  }
0x28: {  	s2 =	sld [smem:$0x3FB1]  }
0x29: {  	s4 =	sld [smem:$0x3FB3]  }
0x2a: {  	p0 =	seq.s32 s5, $0x0;
	s5 =	sld [smem:$0x3FB4]  }
0x2b: {  	s6 =	sld [smem:$0x3FB5]  }
0x2c: {  	s7 =	sld [smem:$0x3FB6]  }
0x2d: {  	s3 =	simm.s32 $0x108;
	s8 =	sld [smem:$0x3FB7]  }
0x2e: {  	s3 =	simm.s32 @!p0 $0x1082;
	s9 =	sld [smem:$0x3FB8]  }
0x2f: {  	lr =	sadd.s32 s0, s3;
	s0 =	sld [smem:$0x3FAF]  }
0x30: {  	s3 =	sld [smem:$0x3FB2]  }
0x31: {  	[smem:$0x3FBB] =	sst s10  }
0x32: {  	s10 =	sld [smem:$0x3FB9];
	_ =	sdelay $0x3  }
0x33: {  	p0 =	seq.s32 s10, $0x1;
	s10 =	sld [smem:$0x3FBB];
	_ =	sdelay $0x3  }
0x34: {  	[smem:$0x3FBB] =	sst s10  }
0x35: {  	s10 =	sld [smem:$0x3FBA];
	_ =	sdelay $0x3  }
0x36: {  	p1 =	seq.s32 s10, $0x1;
	s10 =	sld [smem:$0x3FBB];
	_ =	sdelay $0x3  }
0x37: {  	[smem:$0x3FBB] =	sst s10  }
0x38: {  	s10 =	sld [smem:$0x3FBC]  }
0x39: {  	_ = 	snop;
	(pc) =	sbr.ind lr, $3  }
0x3a: {  	_ = 	snop  }
0x3b: {  	_ = 	snop  }
0x3c: {  	p2 =	seq.s32 s10, $0x1;
	s10 =	sld [smem:$0x3FBB]  }
0x3d: {  	_ =	shalt  }
0x3e: {  	_ =	shalt  }
0x3f: {  	_ =	shalt  }
0x40: {  	_ =	shalt  }
0x41: {  	_ =	shalt  }
0x42: {  	_ =	shalt  }
0x43: {  	_ =	shalt  }
0x44: {  	_ =	shalt  }
0x45: {  	_ =	shalt  }
0x46: {  	_ =	shalt  }
0x47: {  	_ =	shalt  }
0x48: {  	_ =	shalt  }
0x49: {  	_ =	shalt  }
0x4a: {  	_ =	shalt  }
0x4b: {  	_ =	shalt  }
0x4c: {  	_ =	shalt  }
0x4d: {  	_ =	shalt  }
0x4e: {  	_ =	shalt  }
0x4f: {  	_ =	shalt  }
0x50: {  	_ =	shalt  }
0x51: {  	_ =	shalt  }
0x52: {  	_ =	shalt  }
0x53: {  	_ =	shalt  }
0x54: {  	_ =	shalt  }
0x55: {  	_ =	shalt  }
0x56: {  	_ =	shalt  }
0x57: {  	_ =	shalt  }
0x58: {  	_ =	shalt  }
0x59: {  	_ =	shalt  }
0x5a: {  	_ =	shalt  }
0x5b: {  	_ =	shalt  }
0x5c: {  	_ =	shalt  }
0x5d: {  	_ =	shalt  }
0x5e: {  	_ =	shalt  }
0x5f: {  	_ =	shalt  }
0x60: {  	_ =	shalt  }
0x61: {  	_ =	shalt  }
0x62: {  	_ =	shalt  }
0x63: {  	_ =	shalt  }
0x64: {  	_ =	shalt  }
0x65: {  	_ =	shalt  }
0x66: {  	_ =	shalt  }
0x67: {  	_ =	shalt  }
0x68: {  	_ =	shalt  }
0x69: {  	_ =	shalt  }
0x6a: {  	_ =	shalt  }
0x6b: {  	_ =	shalt  }
0x6c: {  	_ =	shalt  }
0x6d: {  	_ =	shalt  }
0x6e: {  	_ =	shalt  }
0x6f: {  	_ =	shalt  }
0x70: {  	_ =	shalt  }
0x71: {  	_ =	shalt  }
0x72: {  	_ =	shalt  }
0x73: {  	_ =	shalt  }
0x74: {  	_ =	shalt  }
0x75: {  	_ =	shalt  }
0x76: {  	_ =	shalt  }
0x77: {  	_ =	shalt  }
0x78: {  	_ =	shalt  }
0x79: {  	_ =	shalt  }
0x7a: {  	_ =	shalt  }
0x7b: {  	_ =	shalt  }
0x7c: {  	_ =	shalt  }
0x7d: {  	_ =	shalt  }
0x7e: {  	_ =	shalt  }
0x7f: {  	_ =	shalt  }
0x80: {  	_ =	shalt  }
0x81: {  	_ =	shalt  }
0x82: {  	_ =	shalt  }
0x83: {  	_ =	shalt  }
0x84: {  	_ =	shalt  }
0x85: {  	_ =	shalt  }
0x86: {  	_ =	shalt  }
0x87: {  	_ =	shalt  }
.Lfunc_end0:
.L_simem_size_0:
called_computation.2_lowered:
.L_overlay_start_0:
0x88: {  	s2 =	sld [smem:$0x3FD9]  }
0x89: {  	s3 =	sld [smem:$0x3FFE];
	_ =	sdelay $0x1  }
0x8a: {  	s1 =	srdreg.scid  }
0x8b: {  	s0 =	sand.u32 $0x1, s1  }
0x8c: {  	s17 =	sshll.u32 s0, $0xA;
	s2 =	sadd.s32 s3, s2  }
0x8d: {  	s2 =	sadd.s32 s2, s17  }
0x8e: {  	[smem:$0x3FC7] =	sst s2  }
0x8f: {  	_ = 	snop  }
0x90: {  	s2 =	sld [smem:$0x3FD0];
	(tm) =	ssettm $0x1  }
0x91: {  	s18 =	sld [smem:$0x3FFB];
	_ =	sdelay $0x3  }
0x92: {  	_ =	strace s18  }
0x93: {  	s3 =	sld [smem:$0x3FFC];
	_ =	sdelay $0x3  }
0x94: {  	_ =	strace s3  }
0x95: {  	s3 =	sld [smem:$0x3FFD];
	_ =	sdelay $0x3  }
0x96: {  	_ =	strace s3  }
0x97: {  	_ =	strace $0x8FFFFFFF  }
0x98: {  	s19 =	sld [smem:$0x3FDB];
	_ =	sdelay $0x1  }
0x99: {  	s4 =	simm.s32 $_scs_section_size  }
0x9a: {  	s5 =	simm.s32 $_size__tile_overlayer_lowered;
	s6 =	simm.s32 $_tile_overlayer_lowered  }
0x9b: {  	s22 =	simm.s32 $0x1BFF;
	s21 =	sshll.u32 s6, $0x1;
	s3 =	sadd.s32 s4, s19  }
0x9c: {  	s7 =	simm.s32 $0x0;
	s20 =	sshll.u32 s5, $0x1;
	s5 =	sadd.s32 s21, s3  }
0x9d: {  	[timem:s7], [sflag:s22] =	dma.local [hbm:s5], s20  }
0x9e: {  	_ =	swait.ge [sflag:s22], s20  }
0x9f: {  	s4 =	ssub.s32 $0x0, s20;
	[sflag:s22] =	ssyncset.done $0x0  }
0xa0: {  	[sflag:s22] =	ssyncadd.s32 s4;
	_ =	sdelay $0x1  }
0xa1: {  	s23 =	simm.s32 $0x1B8B  }
0xa2: {  	_ =	swait.ge [sflag:s23], $0x1  }
0xa3: {  	[sflag:s23] =	ssyncset.done $0x0  }
0xa4: {  	s25 =	simm.s32 $0x1B8E;
	s24 =	sld [smem:$0x3FFE];
	[sflag:s23] =	ssyncadd.s32 $0xFFFFFFFF  }
0xa5: {  	s26 =	simm.s32 $execute0_lowered;
	[smem:$0x3FD2] =	sst s25  }
0xa6: {  	s5 =	sshll.u32 s26, $0x1;
	_ =	strace $0x80000049;
	[dreg:$0x1] =	wrdreg $0xFFFFFFFF  }
0xa7: {  	s28 =	simm.s32 $_size_execute0_lowered;
	s3 =	sadd.s32 s3, s5;
	[dreg:$0x0] =	wrdreg $0x0  }
0xa8: {  	s5 =	sshll.u32 s28, $0x1;
	[dreg:$0x2] =	wrdreg s3  }
0xa9: {  	[dreg:$0x3] =	wrdreg s5  }
0xaa: {  	[dreg:$0x4] =	wrdreg $0xC0  }
0xab: {  	_ =	task [dreg:s7], $0x5FFFF  }
0xac: {  	[dreg:$0x1] =	wrdreg $0xFFFFFFFF  }
0xad: {  	[dreg:$0x0] =	wrdreg $0x60  }
0xae: {  	[dreg:$0x2] =	wrdreg s2  }
0xaf: {  	[dreg:$0x3] =	wrdreg s24  }
0xb0: {  	[dreg:$0x4] =	wrdreg $0x9  }
0xb1: {  	_ =	task.clear_ibuf [dreg:s7], $0x5FFFF;
	_ =	strace $0x90000049  }
0xb2: {  	s29 =	simm.s32 $0x9;
	_ =	strace $0x8000004B  }
0xb3: {  	_ =	swait.ge [sflag:s29], $0x1  }
0xb4: {  	[sflag:s29] =	ssyncadd.s32 $0xFFFFFFFF  }
0xb5: {  	_ =	strace $0x9000004B  }
0xb6: {  	_ =	sfence  }
0xb7: {  	s30 =	sld [smem:$0x0];
	_ =	sdelay $0x2  }
0xb8: {  	s31 =	sshll.u32 s1, $0xD;
	s1 =	sshrl.u32 s1, $0x2  }
0xb9: {  	s3 =	sand.u32 $0x4000, s31;
	s1 =	sadd.s32 s1, s30  }
0xba: {  	s0 =	sor.u32 s3, s0;
	s1 =	sshll.u32 s1, $0x11  }
0xbb: {  	s0 =	sor.u32 s1, s0  }
0xbc: {  	s0 =	sadd.s32 $0x8F2B, s0  }
0xbd: {  	[sflag:s0] =	ssyncadd.remote.s32 $0x1  }
0xbe: {  	_ =	sfence.sel $0xFFFF  }
0xbf: {  	[dreg:$0x0] =	wrdreg $0xFFFFFFFF;
	(pc) =	sbr.abs _section_cstart, $3  }
0xc0: {  	[dreg:$0x1] =	wrdreg $0xFFFFFFFF  }
0xc1: {  	_ =	task.clear_ibuf [dreg:s7], $0x2FFFF;
	_ =	strace $0x9FFFFFFF  }
0xc2: {  	(tm) =	ssettm $0x7FFFFFFF  }
0xc3: {  	_ =	shalt  }
tec
execute0_lowered:
.L_overlay_start_1:
0x0: {  	(tag) =	ssettag $0x1  }
0x1: {  	s0 =	stileid.u32  }
0x2: {  	s1 =	srdreg.scid;
	s5 =	smul.u32 $0x122780, s0  }
0x3: {  	s4 =	rddreg [dreg:$0x0];
	s3 =	sand.u32 $0x1, s1;
	s8 =	smul.u32 $0x11A3A0, s0  }
0x4: {  	s6 =	rddreg [dreg:$0x1];
	s2 =	simm.s32 $0x0;
	s7 =	smul.u32 $0x913C0, s3  }
0x5: {  	[smem:$0x7FF] =	sst s2;
	s9 =	smul.u32 $0x8D1D0, s3;
	s3 =	ssub.s32 $0x2, s3  }
0x6: {  	s1 =	rddreg [dreg:$0x2];
	_ =	strace $0x8000004A;
	s30 =	sshrl.u32 s3, $0x1  }
0x7: {  	s5 =	sadd.s32 s7, s5;
	s29 =	sadd.s32 s9, s8;
	s3 =	ssub.s32 s3, s30  }
0x8: {  	s7 =	simm.s32 $0xE1C8;
	s8 =	simm.s32 $0x0;
	s5 =	sshrl.u32 s5, $0x3  }
0x9: {  	s31 =	sshrl.u32 s29, $0x3;
	s3 =	smax.u32 s3, $0x1;
	s5 =	sadd.s32 s5, s6  }
0xa: {  	s4 =	sadd.s32 s31, s4;
	s6 =	simm.s32 $0x1;
	s5 =	sadd.s32 $0xE00, s5  }
.LBB2_1:
0xb: {  	[tilespmem:s2], [sflag:$0x1] =	stream.linear.gather [hbm4b:s4+s2], $0xE1C8, $0x38;
	[tilespmem:$0x1CA28] =	vst v63  }
0xc: {  	_ =	swait.ge [sflag:s6], $0xE1C8  }
0xd: {  	[sflag:s6] =	ssyncset.done $0x0  }
0xe: {  	[sflag:s6] =	ssyncadd.s32 $0xFFFF1E38  }
0xf: {  	[hbm4b:s5+s2] =	stream.linear.scatter [tilespmem:s7], [sflag:$0x1], $0xE860, $0x38;
	[tilespmem:$0x1CA28] =	vst v63  }
0x10: {  	s9 =	simm.s32 $0x1;
	_ =	swait.ge [sflag:s6], $0xE860  }
0x11: {  	s10 =	smov.u32 s4;
	s11 =	smov.u32 s5;
	[sflag:s6] =	ssyncset.done $0x0  }
.LBB2_2:
0x12: {  	[sflag:s6] =	ssyncadd.s32 $0xFFFF17A0;
	s10 =	sadd.s32 $0x1C39, s10;
	s11 =	sadd.s32 $0x1D0C, s11  }
0x13: {  	[tilespmem:s2], [sflag:$0x1] =	stream.linear.gather [hbm4b:s10+s2], $0xE1C8, $0x38;
	[tilespmem:$0x1CA28] =	vst v63  }
0x14: {  	p0 =	sne.s32 s9, $0x9;
	s9 =	sadd.s32 $0x1, s9;
	_ =	swait.ge [sflag:s6], $0xE1C8  }
.Ltmp0:
0x15: {  	[sflag:s6] =	ssyncset.done $0x0;
	(pc) =	sbr.rel @p0 .LBB2_2-.Ltmp0, $4  }
0x16: {  	[sflag:s6] =	ssyncadd.s32 $0xFFFF1E38  }
0x17: {  	[hbm4b:s11+s2] =	stream.linear.scatter [tilespmem:s7], [sflag:$0x1], $0xE860, $0x38;
	[tilespmem:$0x1CA28] =	vst v63  }
0x18: {  	_ =	swait.ge [sflag:s6], $0xE860  }
0x19: {  	[sflag:s6] =	ssyncset.done $0x0  }
0x1a: {  	s8 =	sadd.s32 $0x1, s8  }
0x1b: {  	p0 =	sne.s32 s8, s3  }
.Ltmp1:
0x1c: {  	_ = 	snop;
	(pc) =	sbr.rel @p0 .LBB2_1-.Ltmp1, $2  }
0x1d: {  	_ =	sdelay $0x2  }
0x1e: {  	[sflag:s6] =	ssyncadd.s32 $0xFFFF17A0  }
0x1f: {  	_ =	sfence.sel $0x180000  }
0x20: {  	[bflag:$0x0] =	sbarrier.arrive $0xFFFF  }
0x21: {  	p0 =	sne.s32 s0, $0x0;
	_ =	strace $0x9000004A  }
0x22: {  	s0 =	sadd.s32 @!p0 $0x100000, s1;
	[bflag:$0x2] =	sbarrier.arrive $0xFFFF  }
0x23: {  	[sflag:s0] =	ssyncadd.tile.s32 @!p0 $0x1;
	_ =	shalt  }
.Lfunc_end2:
_tile_overlayer_lowered:
.L_overlay_start_2:
0x24: {  	(tag) =	ssettag $0x2  }
0x25: {  	s0 =	rddreg [dreg:$0x0];
	s2 =	stileid.u32  }
0x26: {  	s1 =	rddreg [dreg:$0x1];
	p0 =	sne.s32 s2, $0x0  }
0x27: {  	s3 =	rddreg [dreg:$0x2];
	[bflag:$0x3] =	sbarrier.arrive $0xFFFF;
	s2 =	simm.s32 @!p0 $0x1C01  }
0x28: {  	[timem:s3], [sflag:s2] =	dma.local @!p0 [hbm:s0], s1  }
0x29: {  	s0 =	simm.s32 @!p0 $0x1  }
0x2a: {  	_ =	swait.ge @!p0 [sflag:s0], s1  }
0x2b: {  	s1 =	ssub.s32 @!p0 $0x0, s1;
	[sflag:s0] =	ssyncset.done @!p0 $0x0  }
0x2c: {  	[sflag:s0] =	ssyncadd.s32 @!p0 s1  }
0x2d: {  	[bflag:$0x3] =	sbarrier.arrive $0xFFFF  }
0x2e: {  	_ =	shalt  }

// kernel: sparse-core-data-format-call.1.cloned.1.call-start
scs
called_computation.1_lowered:
.L_overlay_start_0:
0x0: {  	s1 =	sld [smem:$0x3FD9]  }
0x1: {  	s2 =	sld [smem:$0x3FFE];
	_ =	sdelay $0x1  }
0x2: {  	s3 =	srdreg.scid  }
0x3: {  	s0 =	sand.u32 $0x1, s3  }
0x4: {  	s17 =	sshll.u32 s0, $0xA;
	s1 =	sadd.s32 s2, s1  }
0x5: {  	s1 =	sadd.s32 s1, s17  }
0x6: {  	[smem:$0x3FC7] =	sst s1  }
0x7: {  	_ = 	snop  }
0x8: {  	(tm) =	ssettm $0x1  }
0x9: {  	s18 =	sld [smem:$0x3FFB];
	_ =	sdelay $0x3  }
0xa: {  	_ =	strace s18  }
0xb: {  	s1 =	sld [smem:$0x3FFC];
	_ =	sdelay $0x3  }
0xc: {  	_ =	strace s1  }
0xd: {  	s1 =	sld [smem:$0x3FFD];
	_ =	sdelay $0x3  }
0xe: {  	_ =	strace s1  }
0xf: {  	_ =	strace $0x8FFFFFFF  }
0x10: {  	s19 =	sld [smem:$0x3FDB];
	_ =	sdelay $0x1  }
0x11: {  	s20 =	simm.s32 $_scs_section_size  }
0x12: {  	s4 =	simm.s32 $_size__tile_overlayer_lowered;
	s5 =	simm.s32 $_tile_overlayer_lowered  }
0x13: {  	s23 =	simm.s32 $0x1BFF;
	s22 =	sshll.u32 s5, $0x1;
	s1 =	sadd.s32 s20, s19  }
0x14: {  	s6 =	simm.s32 $0x0;
	s21 =	sshll.u32 s4, $0x1;
	s4 =	sadd.s32 s22, s1  }
0x15: {  	[timem:s6], [sflag:s23] =	dma.local [hbm:s4], s21  }
0x16: {  	_ =	swait.ge [sflag:s23], s21  }
0x17: {  	s2 =	ssub.s32 $0x0, s21;
	[sflag:s23] =	ssyncset.done $0x0  }
0x18: {  	[sflag:s23] =	ssyncadd.s32 s2;
	_ =	sdelay $0x1  }
0x19: {  	s24 =	simm.s32 $0x1B8B  }
0x1a: {  	_ =	swait.ge [sflag:s24], $0x1  }
0x1b: {  	[sflag:s24] =	ssyncset.done $0x0  }
0x1c: {  	s26 =	simm.s32 $0x1B8E;
	s25 =	sld [smem:$0x3FFE];
	[sflag:s24] =	ssyncadd.s32 $0xFFFFFFFF  }
0x1d: {  	s27 =	simm.s32 $execute0_lowered;
	[smem:$0x3FD2] =	sst s26  }
0x1e: {  	s4 =	sshll.u32 s27, $0x1;
	_ =	strace $0x80000046;
	[dreg:$0x1] =	wrdreg $0xFFFFFFFF  }
0x1f: {  	s28 =	simm.s32 $_size_execute0_lowered;
	s1 =	sadd.s32 s1, s4;
	[dreg:$0x0] =	wrdreg $0x0  }
0x20: {  	s4 =	sshll.u32 s28, $0x1;
	[dreg:$0x2] =	wrdreg s1  }
0x21: {  	[dreg:$0x3] =	wrdreg s4  }
0x22: {  	[dreg:$0x4] =	wrdreg $0xC0  }
0x23: {  	_ =	task [dreg:s6], $0x5FFFF  }
0x24: {  	[dreg:$0x1] =	wrdreg $0xFFFFFFFF  }
0x25: {  	[dreg:$0x0] =	wrdreg $0x60  }
0x26: {  	[dreg:$0x2] =	wrdreg s25  }
0x27: {  	[dreg:$0x3] =	wrdreg $0x9  }
0x28: {  	_ =	task.clear_ibuf [dreg:s6], $0x4FFFF;
	_ =	strace $0x90000046  }
0x29: {  	s29 =	simm.s32 $0x9;
	_ =	strace $0x80000048  }
0x2a: {  	_ =	swait.ge [sflag:s29], $0x1  }
0x2b: {  	[sflag:s29] =	ssyncadd.s32 $0xFFFFFFFF  }
0x2c: {  	_ =	strace $0x90000048  }
0x2d: {  	_ =	sfence  }
0x2e: {  	s30 =	sld [smem:$0x0];
	_ =	sdelay $0x2  }
0x2f: {  	s31 =	sshll.u32 s3, $0xD;
	s3 =	sshrl.u32 s3, $0x2  }
0x30: {  	s2 =	sand.u32 $0x4000, s31;
	s1 =	sadd.s32 s3, s30  }
0x31: {  	s0 =	sor.u32 s2, s0;
	s1 =	sshll.u32 s1, $0x11  }
0x32: {  	s0 =	sor.u32 s1, s0  }
0x33: {  	s0 =	sadd.s32 $0x8F2B, s0  }
0x34: {  	[sflag:s0] =	ssyncadd.remote.s32 $0x1  }
0x35: {  	_ =	sfence.sel $0xFFFF  }
0x36: {  	[dreg:$0x0] =	wrdreg $0xFFFFFFFF;
	(pc) =	sbr.abs _section_cstart, $3  }
0x37: {  	[dreg:$0x1] =	wrdreg $0xFFFFFFFF  }
0x38: {  	_ =	task.clear_ibuf [dreg:s6], $0x2FFFF;
	_ =	strace $0x9FFFFFFF  }
0x39: {  	(tm) =	ssettm $0x7FFFFFFF  }
tec
execute0_lowered:
.L_overlay_start_1:
0x0: {  	(tag) =	ssettag $0x1  }
0x1: {  	s0 =	rddreg [dreg:$0x0]  }
0x2: {  	_ =	strace $0x80000047;
	s1 =	srdreg.scid;
	s30 =	stileid.u32  }
0x3: {  	s2 =	simm.s32 $0x1;
	s31 =	simm.s32 $0x2;
	s14 =	simm.s32 $0x0  }
0x4: {  	p0 =	por $0x0, $0x0;
	s16 =	simm.s32 $0x0;
	s15 =	simm.s32 $0x0  }
0x5: {  	s9 =	simm.s32 $0x0;
	s7 =	simm.s32 $0x0;
	s10 =	simm.s32 $0x0  }
.Ltmp0:
0x6: {  	s11 =	simm.s32 $0x0;
	s13 =	simm.s32 $0x0;
	(pc) =	sbr.rel .LBB1_1-.Ltmp0, $4  }
0x7: {  	s5 =	sadd.s32 $0xE00, s0;
	s0 =	sadd.s32 $0x548E00, s0;
	s29 =	sshll.u32 s1, $0x4  }
0x8: {  	s8 =	simm.s32 $0x0;
	[dreg:$0x3] =	wrdreg s0;
	s0 =	sand.u32 $0x10, s29  }
0x9: {  	[sflag:s2] =	ssyncpa.u1 $0x0;
	[dreg:$0x2] =	wrdreg s5;
	s6 =	sor.u32 s30, s0  }
0xa: {  	[sflag:s31] =	ssyncpa.u1 $0x0;
	s12 =	smov.u32 s6;
	[dreg:$0x4] =	wrdreg s6  }
.LBB1_13:
0xb: {  	s10 =	rddreg [dreg:$0x7]  }
0xc: {  	s3 =	rddreg [dreg:$0x11]  }
0xd: {  	s4 =	rddreg [dreg:$0xe]  }
0xe: {  	s9 =	rddreg [dreg:$0x5]  }
0xf: {  	s6 =	rddreg [dreg:$0xf]  }
0x10: {  	s7 =	rddreg [dreg:$0x10]  }
0x11: {  	s27 =	rddreg [dreg:$0x3]  }
0x12: {  	s11 =	rddreg [dreg:$0x8]  }
0x13: {  	s12 =	rddreg [dreg:$0x9]  }
0x14: {  	s13 =	rddreg [dreg:$0xa]  }
0x15: {  	s14 =	rddreg [dreg:$0xb]  }
0x16: {  	s15 =	rddreg [dreg:$0xc]  }
0x17: {  	s31 =	simm.s32 $0x1800;
	s16 =	rddreg [dreg:$0xd];
	s0 =	sshll.u32 s10, $0x3  }
0x18: {  	p1 =	sgt.s32 s10, $0x280;
	s1 =	smov.u32 s10;
	s3 =	smul.u32 $0x4080, s3  }
0x19: {  	s2 =	sand.u32 $0x7F, s10;
	s26 =	smul.u32 $0x2100, s9;
	s0 =	sand.u32 $0xFFFFFC00, s0  }
0x1a: {  	s1 =	simm.s32 @!p1 $0x280;
	p1 =	sgt.s32 s9, $0x4;
	s2 =	sor.u32 s2, s0  }
0x1b: {  	s1 =	sadd.s32 s4, s1;
	s0 =	smulhi.u32 $0xAAAAAAAB, s0;
	s4 =	smov.u32 s9  }
0x1c: {  	s5 =	ssub.s32 $0x300, s1;
	s4 =	simm.s32 @!p1 $0x4;
	s22 =	smulhi.u32 $0xAAAAAAAB, s2  }
0x1d: {  	s1 =	sadd.s32 $0xFFFFFD80, s1;
	s5 =	smul.u32 $0x58, s5;
	s0 =	sshrl.u32 s0, $0x9  }
0x1e: {  	p1 =	sgt.s32 s1, $0x7F;
	s23 =	smulhi.u32 $0x2E8BA2F, s0;
	s1 =	sshrl.u32 s22, $0x9  }
0x1f: {  	s4 =	sadd.s32 s6, s4;
	s5 =	simm.s32 @p1 $0x0;
	s1 =	smul.u32 $0x300, s1  }
0x20: {  	s24 =	sadd.s32 $0xFFFFFFFC, s4;
	s4 =	ssub.s32 $0x5, s4;
	s5 =	smul.u32 s7, s5  }
0x21: {  	p1 =	sgt.s32 s24, $0x0;
	s6 =	smul.u32 $0x58, s23;
	s7 =	rddreg [dreg:$0x6]  }
0x22: {  	s3 =	sor.u32 $0x8000, s3;
	s4 =	simm.s32 @p1 $0x0;
	s25 =	smul.u32 $0xA500, s7  }
0x23: {  	s1 =	ssub.s32 s2, s1;
	s4 =	smul.u32 s4, s5;
	s0 =	ssub.s32 s0, s6  }
0x24: {  	s28 =	sand.u32 $0x7, s1;
	s0 =	smul.u32 $0x60, s0;
	s2 =	sadd.s32 s27, s25  }
0x25: {  	s1 =	sshrl.u32 s1, $0x3;
	s5 =	rddreg [dreg:$0x2];
	s2 =	sadd.s32 s26, s2  }
0x26: {  	s6 =	rddreg [dreg:$0x4];
	s29 =	sshll.u32 s28, $0x12;
	s0 =	sadd.s32 s0, s2  }
0x27: {  	s4 =	sand.u32 $0x3FFFFFF8, s4;
	s30 =	sor.u32 $0x400, s29;
	s0 =	sadd.s32 s1, s0  }
0x28: {  	[hbm4b:s0+s30] =	stream.strided.scatter [tilespmem:s3], [sflag:$0x2], s4, s31, s30, $0x20;
	[tilespmem:$0x10100] =	vst v63  }
.LBB1_14:
0x29: {  	p1 =	slt.u32 s8, $0x2  }
0x2a: {  	p2 =	sgt.s32 @!p1 s16, $0x3F  }
0x2b: {  	s0 =	smov.u32 s16;
	s1 =	sshra.s32 @!p1 s16, $0x1F;
	p2 =	por !p2, p1  }
0x2c: {  	s1 =	sand.u32 @!p1 s1, s16;
	s0 =	simm.s32 @p2 $0x3F  }
0x2d: {  	s3 =	smov.u32 s14;
	s2 =	sshra.s32 @!p1 s15, $0x1F;
	s0 =	ssub.s32 @!p1 s0, s1  }
0x2e: {  	s2 =	sand.u32 @!p1 s2, s15;
	p2 =	sgt.s32 @!p1 s15, $0x280;
	s1 =	sadd.s32 @!p1 $0xFFFFFFC1, s0  }
0x2f: {  	p2 =	por !p2, p1;
	p3 =	sgt.s32 @!p1 s1, $0x0;
	s1 =	smov.u32 s15  }
0x30: {  	s0 =	ssub.s32 @!p1 $0x40, s0;
	s1 =	simm.s32 @p2 $0x280;
	p2 =	sgt.s32 @!p1 s14, $0x4  }
0x31: {  	p3 =	por !p3, p1;
	p2 =	por !p2, p1;
	s1 =	ssub.s32 @!p1 s1, s2  }
0x32: {  	s2 =	sshra.s32 @!p1 s14, $0x1F;
	s0 =	simm.s32 @!p3 $0x0;
	s3 =	simm.s32 @p2 $0x4  }
0x33: {  	s2 =	sand.u32 @!p1 s2, s14;
	s4 =	sadd.s32 @!p1 $0xFFFFFD80, s1;
	s1 =	ssub.s32 @!p1 $0x300, s1  }
0x34: {  	s2 =	ssub.s32 @!p1 s3, s2;
	p2 =	sgt.s32 @!p1 s4, $0x7F;
	s1 =	smul.u32 @!p1 $0x58, s1  }
0x35: {  	s4 =	smov.u32 s12;
	s3 =	sadd.s32 @!p1 $0xFFFFFFFC, s2;
	p2 =	por !p2, p1  }
0x36: {  	s2 =	ssub.s32 @!p1 $0x5, s2;
	p3 =	sgt.s32 @!p1 s3, $0x0;
	s1 =	simm.s32 @!p2 $0x0  }
0x37: {  	p2 =	por !p3, p1;
	s0 =	smul.u32 @!p1 s0, s1;
	s1 =	sadd.s32 $0x1, s11  }
0x38: {  	s3 =	sadd.s32 $0x20, s12;
	s2 =	simm.s32 @!p2 $0x0;
	p2 =	sgt.s32 s1, $0x4  }
0x39: {  	s0 =	smul.u32 @!p1 s2, s0;
	s4 =	smov.u32 @p2 s3  }
0x3a: {  	s2 =	sadd.s32 $0x80, s13;
	s3 =	smov.u32 s13;
	p3 =	sgt.s32 s4, $0x3F  }
0x3b: {  	s8 =	sadd.s32 $0x1, s8;
	p0 =	por !p0, !p0;
	s3 =	smov.u32 @p3 s2  }
0x3c: {  	s16 =	smov.u32 s7;
	s1 =	simm.s32 @p2 $0x0;
	p2 =	sgt.s32 s3, $0x2A3  }
0x3d: {  	s7 =	smov.u32 s12;
	s3 =	simm.s32 @p2 $0x0;
	p2 =	sne.s32 s8, $0x3E  }
.Ltmp1:
0x3e: {  	s15 =	smov.u32 s10;
	s10 =	smov.u32 s13;
	(pc) =	sbr.rel @!p2 .LBB1_15-.Ltmp1, $4  }
0x3f: {  	s14 =	smov.u32 s9;
	s0 =	sand.u32 @!p1 $0x3FFFFFF8, s0;
	s2 =	simm.s32 @!p1 $0x2  }
0x40: {  	s9 =	smov.u32 s11;
	s11 =	smov.u32 s1;
	_ =	swait.ge @!p1 [sflag:s2], s0  }
0x41: {  	s4 =	smov.u32 @p3 s6;
	s0 =	ssub.s32 @!p1 $0x0, s0;
	[sflag:s2] =	ssyncset.done @!p1 $0x0  }
0x42: {  	s12 =	smov.u32 s4;
	[sflag:s2] =	ssyncadd.s32 @!p1 s0;
	s13 =	smov.u32 s3  }
.LBB1_1:
0x43: {  	p1 =	sgt.u32 s8, $0x3B;
	s0 =	smov.u32 s13  }
0x44: {  	s3 =	smov.u32 s12;
	p2 =	sgt.s32 @!p1 s13, $0x224;
	s1 =	sxor.u32 @!p1 $0xFFFFFFFF, s8  }
0x45: {  	s2 =	sshra.s32 @!p1 s13, $0x1F;
	s4 =	sshra.s32 @!p1 s12, $0x1F;
	p2 =	por !p2, p1  }
0x46: {  	s2 =	sand.u32 @!p1 s2, s13;
	s0 =	simm.s32 @p2 $0x224;
	p2 =	sgt.s32 @!p1 s12, $0x3F  }
0x47: {  	s4 =	sand.u32 @!p1 s4, s12;
	s1 =	sshll.u32 @!p1 s1, $0xE;
	p2 =	por !p2, p1  }
0x48: {  	s1 =	sand.u32 @!p1 $0x4000, s1;
	s0 =	ssub.s32 @!p1 s0, s2;
	s3 =	simm.s32 @p2 $0x3F  }
0x49: {  	p2 =	sgt.s32 @!p1 s11, $0x7;
	s0 =	sadd.s32 @!p1 $0xFFFFFDDC, s0;
	s2 =	ssub.s32 @!p1 s3, s4  }
0x4a: {  	p2 =	por !p2, p1;
	s4 =	smov.u32 s11;
	s3 =	sadd.s32 @!p1 $0xFFFFFFC1, s2  }
0x4b: {  	s4 =	simm.s32 @p2 $0x7;
	p3 =	sgt.s32 @!p1 s3, $0x0;
	s3 =	sshra.s32 @!p1 s11, $0x1F  }
0x4c: {  	p2 =	sgt.s32 @!p1 s0, $0x7F;
	s0 =	sshll.u32 @!p1 s0, $0x7;
	s3 =	sand.u32 @!p1 s3, s11  }
0x4d: {  	s2 =	ssub.s32 @!p1 $0x40, s2;
	s0 =	ssub.s32 @!p1 $0x4000, s0;
	s3 =	ssub.s32 @!p1 s4, s3  }
0x4e: {  	p2 =	por !p2, p1;
	p3 =	por !p3, p1;
	s4 =	sadd.s32 @!p1 $0xFFFFFFF9, s3  }
0x4f: {  	s0 =	simm.s32 @!p2 $0x0;
	s2 =	simm.s32 @!p3 $0x0;
	p3 =	sgt.s32 @!p1 s4, $0x0  }
0x50: {  	s3 =	ssub.s32 @!p1 $0x8, s3;
	s0 =	smul.u32 @!p1 s2, s0;
	p2 =	por !p3, p1  }
0x51: {  	s2 =	sshll.u32 @!p1 s13, $0xD;
	s4 =	sshll.u32 @!p1 s11, $0x4;
	s3 =	simm.s32 @!p2 $0x0  }
0x52: {  	s2 =	sadd.s32 @!p1 s5, s2;
	s0 =	smul.u32 @!p1 s3, s0;
	s3 =	sshll.u32 @!p1 s12, $0x7  }
0x53: {  	s4 =	sand.u32 @!p1 $0x70, s4;
	s2 =	sadd.s32 @!p1 s3, s2;
	s3 =	simm.s32 @!p1 $0x80  }
0x54: {  	s0 =	sand.u32 @!p1 $0x3FFFFF80, s0;
	s2 =	sadd.s32 @!p1 s4, s2;
	s4 =	simm.s32 @!p1 $0x10000  }
0x55: {  	[tilespmem:s1], [sflag:$0x1] =	stream.strided.gather @!p1 [hbm4b:s2+s3], s0, s4, s3, $0x38;
	[tilespmem:$0x10100] =	vst v63  }
0x56: {  	p1 =	seq.s32 s8, $0x0  }
0x57: {  	p2 =	seq.s32 @!p1 s8, $0x3D  }
0x58: {  	p1 =	por p1, p2  }
.Ltmp2:
0x59: {  	_ = 	snop;
	(pc) =	sbr.rel @p1 .LBB1_14-.Ltmp2, $1  }
0x5a: {  	_ =	sdelay $0x3  }
0x5b: {  	[dreg:$0xd] =	wrdreg s16  }
0x5c: {  	[dreg:$0xc] =	wrdreg s15  }
0x5d: {  	[dreg:$0xb] =	wrdreg s14;
	s0 =	ssub.s32 $0x0, s10  }
0x5e: {  	s1 =	sshra.s32 s10, $0x1F;
	p1 =	sgt.s32 s10, $0x224;
	s2 =	smov.u32 s10  }
0x5f: {  	s27 =	sshra.s32 s7, $0x1F;
	s28 =	ssub.s32 $0x0, s9;
	s3 =	sshra.s32 s9, $0x1F  }
0x60: {  	p2 =	sgt.s32 s9, $0x7;
	s4 =	smov.u32 s9;
	s0 =	sand.u32 s0, s1  }
0x61: {  	s2 =	simm.s32 @!p1 $0x224;
	p1 =	sgt.s32 s7, $0x3F;
	s1 =	smov.u32 s7  }
0x62: {  	s4 =	simm.s32 @!p2 $0x7;
	[dreg:$0xe] =	wrdreg s0;
	s0 =	sadd.s32 s0, s2  }
0x63: {  	s1 =	simm.s32 @!p1 $0x3F;
	s2 =	sand.u32 s27, s7;
	s0 =	sadd.s32 $0xFFFFFDDC, s0  }
0x64: {  	s1 =	ssub.s32 s1, s2;
	s2 =	sand.u32 s28, s3;
	p1 =	sgt.s32 s0, $0x7F  }
0x65: {  	s5 =	sadd.s32 $0xFFFFFFC1, s1;
	[dreg:$0xf] =	wrdreg s2;
	s2 =	sadd.s32 s2, s4  }
0x66: {  	s0 =	sshll.u32 s0, $0x7;
	s3 =	ssub.s32 $0x40, s1;
	p2 =	sgt.s32 s5, $0x0  }
0x67: {  	s29 =	sadd.s32 $0xFFFFFFF9, s2;
	s0 =	ssub.s32 $0x4000, s0;
	s1 =	ssub.s32 $0x8, s2  }
0x68: {  	s2 =	sadd.s32 $0x80, s10;
	s3 =	simm.s32 @p2 $0x0;
	p2 =	sgt.s32 s29, $0x0  }
0x69: {  	s0 =	simm.s32 @p1 $0x0;
	p1 =	slt.s32 s2, $0x2A4;
	[dreg:$0x10] =	wrdreg s3  }
0x6a: {  	s0 =	smul.u32 s3, s0;
	s3 =	sadd.s32 $0x1, s7;
	s2 =	simm.s32 @!p1 $0x2A4  }
0x6b: {  	s1 =	simm.s32 @p2 $0x0;
	p1 =	slt.s32 s3, $0x40;
	s20 =	ssub.s32 s2, s10  }
0x6c: {  	s0 =	smul.u32 s1, s0;
	s3 =	simm.s32 @!p1 $0x40;
	s1 =	sadd.s32 $0x1, s9  }
0x6d: {  	p1 =	slt.s32 s20, $0x1;
	s21 =	ssub.s32 s3, s7;
	p2 =	slt.s32 s1, $0x5  }
0x6e: {  	[dreg:$0xa] =	wrdreg s13;
	s1 =	simm.s32 @!p2 $0x5;
	p2 =	slt.s32 @!p1 s21, $0x1  }
0x6f: {  	[dreg:$0x9] =	wrdreg s12;
	s22 =	ssub.s32 s1, s9;
	p2 =	por p1, p2  }
0x70: {  	[dreg:$0x8] =	wrdreg s11;
	p3 =	slt.s32 @!p2 s22, $0x1  }
0x71: {  	[dreg:$0x7] =	wrdreg s10;
	p2 =	por p2, p3  }
.Ltmp3:
0x72: {  	[dreg:$0x6] =	wrdreg s7;
	(pc) =	sbr.rel @p2 .LBB1_13-.Ltmp3, $4  }
0x73: {  	[dreg:$0x5] =	wrdreg s9;
	s30 =	simm.s32 $0x1;
	s0 =	sand.u32 $0x3FFFFF80, s0  }
0x74: {  	_ =	swait.ge [sflag:s30], s0  }
0x75: {  	s31 =	sand.u32 $0x1, s8;
	s0 =	ssub.s32 $0x0, s0;
	[sflag:s30] =	ssyncset.done $0x0  }
0x76: {  	[dreg:$0x11] =	wrdreg s31;
	[sflag:s30] =	ssyncadd.s32 s0  }
0x77: {  	s0 =	simm.s32 $0x1  }
.Ltmp4:
0x78: {  	s0 =	simm.s32 @!p0 $0x0;
	(pc) =	sbr.rel .LBB1_4-.Ltmp4, $4  }
0x79: {  	s1 =	rddreg [dreg:$0x11];
	s26 =	simm.s32 $0x0;
	s0 =	smul.u32 $0x10200, s0  }
0x7a: {  	s27 =	simm.s32 $0x800;
	s28 =	simm.s32 $0x1000;
	s29 =	simm.s32 $0x1800  }
0x7b: {  	s30 =	simm.s32 $0x2800;
	s31 =	simm.s32 $0x0;
	s0 =	sshrl.u32 s0, $0x2  }
0x7c: {  	s24 =	sshll.u32 @!p1 s1, $0xE;
	s25 =	sor.u32 $0x8000, s0;
	s0 =	simm.s32 $0x0  }
.LBB1_12:
0x7d: {  	s0 =	sadd.s32 $0x1, s0  }
0x7e: {  	p1 =	sne.s32 s0, s20  }
.Ltmp5:
0x7f: {  	_ = 	snop;
	(pc) =	sbr.rel @!p1 .LBB1_13-.Ltmp5, $3  }
0x80: {  	_ =	sdelay $0x1  }
0x81: {  	s31 =	sadd.s32 $0x1, s31;
	s26 =	sadd.s32 $0x8, s26;
	s27 =	sadd.s32 $0x8, s27  }
0x82: {  	s28 =	sadd.s32 $0x8, s28;
	s29 =	sadd.s32 $0x8, s29;
	s30 =	sadd.s32 $0x8, s30  }
.LBB1_4:
0x83: {  	s1 =	sshrl.u32 s26, $0xA;
	s2 =	sand.u32 $0x7F, s31  }
0x84: {  	s3 =	sshrl.u32 s27, $0xA;
	s4 =	sshrl.u32 s28, $0xA;
	s1 =	sand.u32 $0xF, s1  }
0x85: {  	s14 =	sshrl.u32 s29, $0xA;
	s3 =	sand.u32 $0xF, s3;
	s1 =	smul.u32 $0x1020, s1  }
0x86: {  	s5 =	sshrl.u32 s30, $0xA;
	s4 =	sand.u32 $0xF, s4;
	s3 =	smul.u32 $0x1020, s3  }
0x87: {  	s6 =	sshrl.u32 s0, $0x4;
	s5 =	sand.u32 $0xF, s5;
	s13 =	smul.u32 $0x1020, s4  }
0x88: {  	s6 =	sand.u32 $0x78, s6;
	s4 =	sand.u32 $0xF, s14;
	s5 =	smul.u32 $0x1020, s5  }
0x89: {  	s2 =	sshll.u32 s2, $0x2;
	s6 =	sxor.u32 $0x40, s6;
	s4 =	smul.u32 $0x1020, s4  }
0x8a: {  	s2 =	sshrl.u32 s2, $0x2;
	s15 =	smul.u32 $0x204, s6;
	s1 =	sshrl.u32 s1, $0x2  }
0x8b: {  	s3 =	sshrl.u32 s3, $0x2;
	s18 =	sshrl.u32 s5, $0x2;
	s5 =	simm.s32 $0x0  }
0x8c: {  	s23 =	sadd.s32 s1, s25;
	s16 =	sadd.s32 s3, s25;
	s1 =	sshrl.u32 s13, $0x2  }
0x8d: {  	s17 =	sshrl.u32 s4, $0x2;
	s4 =	sadd.s32 s18, s25;
	s19 =	sshrl.u32 s15, $0x2  }
0x8e: {  	s7 =	sadd.s32 s1, s25;
	s14 =	sadd.s32 s17, s25;
	s9 =	sadd.s32 s19, s25  }
.LBB1_5:
0x8f: {  	s1 =	sadd.s32 s0, s5  }
0x90: {  	s1 =	sshll.u32 s1, $0x9  }
0x91: {  	s1 =	sshra.s32 s1, $0x2  }
0x92: {  	s1 =	sadd.s32 s1, s24  }
0x93: {  	v0 =	vmov s1;
	_ =	sdelay $0x2  }
0x94: {  	s19 =	simm.s32 $0x0  }
0x95: {  	p2 =	sne.s32 s22, $0x1;
	s10 =	sand.u32 $0x380, s19  }
.Ltmp6:
0x96: {  	v11 =	vld.idx.msk [tilespmem:v0+s10+$0x50 ss:$0x1], $0xffff;
	(pc) =	sbr.rel @!p2 .LBB1_6-.Ltmp6, $4  }
0x97: {  	v10 =	vld.idx.msk [tilespmem:v0+s10+$0x0 ss:$0x1], $0xffff  }
0x98: {  	v9 =	vld.idx.msk [tilespmem:v0+s10+$0x10 ss:$0x1], $0xffff  }
0x99: {  	s3 =	simm.s32 $0x80;
	v8 =	vld.idx.msk [tilespmem:v0+s10+$0x20 ss:$0x1], $0xffff  }
0x9a: {  	p1 =	por $0x0, $0x0;
	s19 =	sadd.s32 s2, s4;
	s1 =	sadd.s32 $0xFFFFFFFF, s22;
	v5 =	vld.idx.msk [tilespmem:v0+s10+$0x30 ss:$0x1], $0xffff  }
0x9b: {  	_ =	sdelay $0x3  }
0x9c: {  	s15 =	sand.u32 $0x380, s3;
	v1 =	vld.idx.msk [tilespmem:v0+s10+$0x40 ss:$0x1], $0xffff;
	s12 =	sadd.s32 s2, s23;
	p2 =	sne.s32 s1, $0x1  }
.Ltmp7:
0x9d: {  	[tilespmem:s19+$0x0 ss:$0x81] =	vst.msk $0xffff, v11;
	s13 =	sadd.s32 s2, s16;
	s10 =	sadd.s32 $0xFFFFFFFF, s1;
	v2 =	vld.idx.msk [tilespmem:v0+s15+$0x50 ss:$0x1], $0xffff;
	(pc) =	sbr.rel @!p2 .LBB1_8-.Ltmp7, $4  }
0x9e: {  	s17 =	sadd.s32 s2, s7;
	s11 =	sadd.s32 $0x4080, s4;
	s1 =	sadd.s32 $0x4080, s23;
	v3 =	vld.idx.msk [tilespmem:v0+s15+$0x0 ss:$0x1], $0xffff;
	[tilespmem:s12+$0x0 ss:$0x81] =	vst.msk $0xffff, v10  }
0x9f: {  	s18 =	sadd.s32 s2, s14;
	p1 =	por $0x1, $0x1;
	s6 =	smov.u32 s16;
	v4 =	vld.idx.msk [tilespmem:v0+s15+$0x10 ss:$0x1], $0xffff;
	[tilespmem:s13+$0x0 ss:$0x81] =	vst.msk $0xffff, v9  }
0xa0: {  	s3 =	smov.u32 s7;
	v6 =	vld.idx.msk [tilespmem:v0+s15+$0x20 ss:$0x1], $0xffff;
	s19 =	sadd.s32 s2, s11;
	s12 =	simm.s32 $0x100;
	[tilespmem:s17+$0x0 ss:$0x81] =	vst.msk $0xffff, v8  }
0xa1: {  	v7 =	vld.idx.msk [tilespmem:v0+s15+$0x30 ss:$0x1], $0xffff;
	s13 =	sadd.s32 s2, s9;
	s17 =	smov.u32 s9;
	[tilespmem:s18+$0x0 ss:$0x81] =	vst.msk $0xffff, v5;
	s18 =	smov.u32 s14  }
.LBB1_9:
0xa2: {  	p2 =	sne.s32 s10, $0x1;
	s10 =	sadd.s32 $0xFFFFFFFF, s10;
	[tilespmem:s13+$0x0 ss:$0x81] =	vst.msk $0xffff, v1;
	v1 =	vld.idx.msk [tilespmem:v0+s15+$0x40 ss:$0x1], $0xffff;
	s15 =	sand.u32 $0x380, s12  }
.Ltmp8:
0xa3: {  	s13 =	sadd.s32 s2, s1;
	s6 =	sadd.s32 $0x4080, s6;
	[tilespmem:s19+$0x0 ss:$0x81] =	vst.msk $0xffff, v2;
	v2 =	vld.idx.msk [tilespmem:v0+s15+$0x50 ss:$0x1], $0xffff;
	(pc) =	sbr.rel @p2 .LBB1_9-.Ltmp8, $4  }
0xa4: {  	s3 =	sadd.s32 $0x4080, s3;
	[tilespmem:s13+$0x0 ss:$0x81] =	vst.msk $0xffff, v3;
	v3 =	vld.idx.msk [tilespmem:v0+s15+$0x0 ss:$0x1], $0xffff;
	s13 =	sadd.s32 s2, s6  }
0xa5: {  	s1 =	sadd.s32 $0x4080, s1;
	s18 =	sadd.s32 $0x4080, s18;
	[tilespmem:s13+$0x0 ss:$0x81] =	vst.msk $0xffff, v4;
	v4 =	vld.idx.msk [tilespmem:v0+s15+$0x10 ss:$0x1], $0xffff;
	s13 =	sadd.s32 s2, s3  }
0xa6: {  	s11 =	sadd.s32 $0x4080, s11;
	s17 =	sadd.s32 $0x4080, s17;
	[tilespmem:s13+$0x0 ss:$0x81] =	vst.msk $0xffff, v6;
	v6 =	vld.idx.msk [tilespmem:v0+s15+$0x20 ss:$0x1], $0xffff;
	s13 =	sadd.s32 s2, s18  }
0xa7: {  	s12 =	sadd.s32 $0x80, s12;
	s19 =	sadd.s32 s2, s11;
	[tilespmem:s13+$0x0 ss:$0x81] =	vst.msk $0xffff, v7;
	v7 =	vld.idx.msk [tilespmem:v0+s15+$0x30 ss:$0x1], $0xffff;
	s13 =	sadd.s32 s2, s17  }
0xa8: {  	_ =	sdelay $0x3  }
0xa9: {  	s10 =	smov.u32 s15;
	v11 =	vmovc v2;
	v10 =	vmovc v3;
	v9 =	vmov v4;
	v8 =	vmov v6;
	v5 =	vmov v7  }
.LBB1_11:
0xaa: {  	s6 =	sadd.s32 @p1 $0x4080, s6;
	s11 =	smov.u32 s16;
	s3 =	sadd.s32 @p1 $0x4080, s3  }
0xab: {  	s1 =	sadd.s32 s2, s1;
	s11 =	smov.u32 @p1 s6;
	s6 =	smov.u32 s7  }
0xac: {  	s15 =	sadd.s32 $0x4080, s14;
	s6 =	smov.u32 @p1 s3;
	s3 =	sadd.s32 @p1 $0x4080, s18  }
0xad: {  	[tilespmem:s13+$0x0 ss:$0x81] =	vst.msk @p1 $0xffff, v1;
	s5 =	sadd.s32 $0x1, s5;
	s14 =	smov.u32 @p1 s3;
	s3 =	sadd.s32 @p1 $0x4080, s17  }
0xae: {  	v0 =	vld.idx.msk [tilespmem:v0+s10+$0x40 ss:$0x1], $0xffff;
	[tilespmem:s19+$0x0 ss:$0x81] =	vst.msk $0xffff, v11;
	s17 =	sadd.s32 $0x4080, s9;
	s9 =	smov.u32 @p1 s3;
	p1 =	sne.s32 s5, s21  }
.Ltmp9:
0xaf: {  	[tilespmem:s1+$0x0 ss:$0x81] =	vst.msk $0xffff, v10;
	s12 =	sadd.s32 s2, s11;
	(pc) =	sbr.rel @p1 .LBB1_5-.Ltmp9, $4  }
.Ltmp10:
0xb0: {  	s13 =	sadd.s32 s2, s6;
	[tilespmem:s12+$0x0 ss:$0x81] =	vst.msk $0xffff, v9;
	(pc) =	sbr.rel @!p1 .LBB1_12-.Ltmp10, $4  }
0xb1: {  	s23 =	sadd.s32 $0x4080, s23;
	[tilespmem:s13+$0x0 ss:$0x81] =	vst.msk $0xffff, v8;
	s18 =	sadd.s32 s2, s14  }
0xb2: {  	s16 =	sadd.s32 $0x4080, s16;
	s4 =	sadd.s32 $0x4080, s4;
	[tilespmem:s18+$0x0 ss:$0x81] =	vst.msk $0xffff, v5;
	s19 =	sadd.s32 s2, s9  }
0xb3: {  	s7 =	sadd.s32 $0x4080, s7;
	s14 =	smov.u32 s15;
	s9 =	smov.u32 s17;
	[tilespmem:s19+$0x0 ss:$0x81] =	vst.msk $0xffff, v0  }
0xb4: {  	_ = 	snop  }
.LBB1_6:
.Ltmp11:
0xb5: {  	(pc) =	sbr.rel .LBB1_11-.Ltmp11, $3  }
0xb6: {  	_ =	sdelay $0x1  }
0xb7: {  	s1 =	smov.u32 s23;
	s6 =	smov.u32 s16  }
0xb8: {  	s3 =	smov.u32 s7;
	s18 =	smov.u32 s14;
	s17 =	smov.u32 s9  }
.LBB1_8:
.Ltmp12:
0xb9: {  	_ = 	snop;
	(pc) =	sbr.rel .LBB1_11-.Ltmp12, $3  }
0xba: {  	_ =	sdelay $0x1  }
0xbb: {  	s10 =	smov.u32 s15;
	s6 =	smov.u32 s16  }
0xbc: {  	v11 =	vmovc v2;
	s3 =	smov.u32 s7;
	s18 =	smov.u32 s14;
	s17 =	smov.u32 s9;
	v10 =	vmovc v3;
	v9 =	vmov v4;
	v8 =	vmov v6;
	v5 =	vmov v7  }
.LBB1_15:
0xbd: {  	_ =	sfence.sel $0x180000  }
0xbe: {  	s0 =	simm.s32 $0x1;
	[bflag:$0x0] =	sbarrier.arrive $0xFFFF  }
0xbf: {  	s30 =	simm.s32 $0x2;
	[sflag:s0] =	ssyncpa.u1 $0x1  }
0xc0: {  	[sflag:s30] =	ssyncpa.u1 $0x1  }
0xc1: {  	_ =	strace $0x90000047  }
0xc2: {  	s31 =	stileid.u32;
	[bflag:$0x2] =	sbarrier.arrive $0xFFFF  }
0xc3: {  	p0 =	sne.s32 s31, $0x0;
	s0 =	rddreg [dreg:$0x1]  }
0xc4: {  	s0 =	sadd.s32 @!p0 $0x100000, s0  }
0xc5: {  	[sflag:s0] =	ssyncadd.tile.s32 @!p0 $0x1;
	_ =	shalt  }
.Lfunc_end1:
_tile_overlayer_lowered:
.L_overlay_start_2:
0xc6: {  	(tag) =	ssettag $0x2  }
0xc7: {  	s0 =	rddreg [dreg:$0x0];
	s2 =	stileid.u32  }
0xc8: {  	s1 =	rddreg [dreg:$0x1];
	p0 =	sne.s32 s2, $0x0  }
0xc9: {  	s3 =	rddreg [dreg:$0x2];
	[bflag:$0x3] =	sbarrier.arrive $0xFFFF;
	s2 =	simm.s32 @!p0 $0x1C01  }
0xca: {  	[timem:s3], [sflag:s2] =	dma.local @!p0 [hbm:s0], s1  }
0xcb: {  	s0 =	simm.s32 @!p0 $0x1  }
0xcc: {  	_ =	swait.ge @!p0 [sflag:s0], s1  }
0xcd: {  	s1 =	ssub.s32 @!p0 $0x0, s1;
	[sflag:s0] =	ssyncset.done @!p0 $0x0  }
0xce: {  	[sflag:s0] =	ssyncadd.s32 @!p0 s1  }
0xcf: {  	[bflag:$0x3] =	sbarrier.arrive $0xFFFF  }
0xd0: {  	_ =	shalt  }

// kernel: sparse-core-data-format-call.cloned.1.call-start
scs
called_computation_lowered:
.L_overlay_start_0:
0x0: {  	s2 =	sld [smem:$0x3FD9]  }
0x1: {  	s3 =	sld [smem:$0x3FFE];
	_ =	sdelay $0x1  }
0x2: {  	s1 =	srdreg.scid  }
0x3: {  	s0 =	sand.u32 $0x1, s1  }
0x4: {  	s18 =	sshll.u32 s0, $0xA;
	s2 =	sadd.s32 s3, s2  }
0x5: {  	s2 =	sadd.s32 s2, s18  }
0x6: {  	[smem:$0x3FC7] =	sst s2  }
0x7: {  	_ = 	snop  }
0x8: {  	s2 =	sld [smem:$0x3FD0];
	(tm) =	ssettm $0x1  }
0x9: {  	s19 =	sld [smem:$0x3FFB];
	_ =	sdelay $0x3  }
0xa: {  	_ =	strace s19  }
0xb: {  	s3 =	sld [smem:$0x3FFC];
	_ =	sdelay $0x3  }
0xc: {  	_ =	strace s3  }
0xd: {  	s3 =	sld [smem:$0x3FFD];
	_ =	sdelay $0x3  }
0xe: {  	_ =	strace s3  }
0xf: {  	_ =	strace $0x8FFFFFFF  }
0x10: {  	s20 =	sld [smem:$0x3FDB];
	_ =	sdelay $0x1  }
0x11: {  	s4 =	simm.s32 $_scs_section_size  }
0x12: {  	s5 =	simm.s32 $_size__tile_overlayer_lowered;
	s6 =	simm.s32 $_tile_overlayer_lowered  }
0x13: {  	s23 =	simm.s32 $0x1BFF;
	s22 =	sshll.u32 s6, $0x1;
	s3 =	sadd.s32 s4, s20  }
0x14: {  	s7 =	simm.s32 $0x0;
	s21 =	sshll.u32 s5, $0x1;
	s5 =	sadd.s32 s22, s3  }
0x15: {  	[timem:s7], [sflag:s23] =	dma.local [hbm:s5], s21  }
0x16: {  	_ =	swait.ge [sflag:s23], s21  }
0x17: {  	s4 =	ssub.s32 $0x0, s21;
	[sflag:s23] =	ssyncset.done $0x0  }
0x18: {  	[sflag:s23] =	ssyncadd.s32 s4;
	_ =	sdelay $0x1  }
0x19: {  	s24 =	simm.s32 $0x1B8B  }
0x1a: {  	_ =	swait.ge [sflag:s24], $0x1  }
0x1b: {  	[sflag:s24] =	ssyncset.done $0x0  }
0x1c: {  	s26 =	simm.s32 $0x1B8E;
	s25 =	sld [smem:$0x3FFE];
	[sflag:s24] =	ssyncadd.s32 $0xFFFFFFFF  }
0x1d: {  	s27 =	simm.s32 $execute0_lowered;
	[smem:$0x3FD2] =	sst s26  }
0x1e: {  	s5 =	sshll.u32 s27, $0x1;
	_ =	strace $0x8000004C;
	[dreg:$0x1] =	wrdreg $0xFFFFFFFF  }
0x1f: {  	s28 =	simm.s32 $_size_execute0_lowered;
	s3 =	sadd.s32 s3, s5;
	[dreg:$0x0] =	wrdreg $0x0  }
0x20: {  	s5 =	sshll.u32 s28, $0x1;
	[dreg:$0x2] =	wrdreg s3  }
0x21: {  	[dreg:$0x3] =	wrdreg s5  }
0x22: {  	[dreg:$0x4] =	wrdreg $0xC0  }
0x23: {  	_ =	task [dreg:s7], $0x5FFFF  }
0x24: {  	[dreg:$0x1] =	wrdreg $0xFFFFFFFF  }
0x25: {  	[dreg:$0x0] =	wrdreg $0x60  }
0x26: {  	[dreg:$0x2] =	wrdreg s25  }
0x27: {  	[dreg:$0x3] =	wrdreg s2  }
0x28: {  	[dreg:$0x4] =	wrdreg $0x9  }
0x29: {  	_ =	task.clear_ibuf [dreg:s7], $0x5FFFF;
	_ =	strace $0x9000004C  }
0x2a: {  	s29 =	simm.s32 $0x9;
	_ =	strace $0x8000004E  }
0x2b: {  	_ =	swait.ge [sflag:s29], $0x1  }
0x2c: {  	[sflag:s29] =	ssyncadd.s32 $0xFFFFFFFF  }
0x2d: {  	_ =	strace $0x9000004E  }
0x2e: {  	_ =	sfence  }
0x2f: {  	s30 =	sld [smem:$0x0];
	_ =	sdelay $0x2  }
0x30: {  	s31 =	sshll.u32 s1, $0xD;
	s1 =	sshrl.u32 s1, $0x2  }
0x31: {  	s3 =	sand.u32 $0x4000, s31;
	s1 =	sadd.s32 s1, s30  }
0x32: {  	s0 =	sor.u32 s3, s0;
	s1 =	sshll.u32 s1, $0x11  }
0x33: {  	s0 =	sor.u32 s1, s0  }
0x34: {  	s0 =	sadd.s32 $0x8F2B, s0  }
0x35: {  	[sflag:s0] =	ssyncadd.remote.s32 $0x1  }
0x36: {  	_ =	sfence.sel $0xFFFF  }
0x37: {  	[dreg:$0x0] =	wrdreg $0xFFFFFFFF;
	(pc) =	sbr.abs _section_cstart, $3  }
0x38: {  	[dreg:$0x1] =	wrdreg $0xFFFFFFFF  }
0x39: {  	_ =	task.clear_ibuf [dreg:s7], $0x2FFFF;
	_ =	strace $0x9FFFFFFF  }
0x3a: {  	(tm) =	ssettm $0x7FFFFFFF  }
0x3b: {  	_ =	shalt  }
tec
execute0_lowered:
.L_overlay_start_1:
0x0: {  	(tag) =	ssettag $0x1  }
0x1: {  	s0 =	rddreg [dreg:$0x0];
	_ =	strace $0x8000004D;
	s31 =	srdreg.scid  }
0x2: {  	s2 =	stileid.u32;
	s4 =	simm.s32 $0x1;
	s1 =	simm.s32 $0x2  }
.Ltmp0:
0x3: {  	s12 =	simm.s32 $0x0;
	s13 =	simm.s32 $0x0;
	(pc) =	sbr.rel .LBB1_1-.Ltmp0, $4  }
0x4: {  	s8 =	simm.s32 $0x0;
	s3 =	sadd.s32 $0x597E00, s0;
	s0 =	sshll.u32 s31, $0x4  }
0x5: {  	s10 =	simm.s32 $0x0;
	s9 =	simm.s32 $0x0;
	s0 =	sand.u32 $0x10, s0  }
0x6: {  	s7 =	simm.s32 $0x0;
	[sflag:s4] =	ssyncpa.u1 $0x0;
	s5 =	sor.u32 s2, s0  }
0x7: {  	s21 =	simm.s32 $0x0;
	[sflag:s1] =	ssyncpa.u1 $0x0;
	s11 =	smov.u32 s5  }
.LBB1_11:
0x8: {  	s0 =	sshrl.u32 s10, $0x3;
	s1 =	sshll.u32 s8, $0x3  }
0x9: {  	p0 =	sgt.s32 s8, $0xD00;
	s2 =	smov.u32 s8;
	s0 =	smul.u32 $0x6C00, s0  }
0xa: {  	s6 =	sshll.u32 s10, $0x7;
	s1 =	sand.u32 $0xFFFFFC00, s1;
	s2 =	simm.s32 @!p0 $0xD00  }
0xb: {  	s22 =	sand.u32 $0x380, s6;
	s2 =	sadd.s32 s15, s2;
	s0 =	sadd.s32 s0, s1  }
0xc: {  	s23 =	sadd.s32 $0xFFFFF300, s2;
	s0 =	sor.u32 s22, s0  }
0xd: {  	s1 =	ssub.s32 $0xD80, s2;
	p0 =	sgt.s32 s23, $0x7F;
	s24 =	sshrl.u32 s0, $0x7  }
0xe: {  	s1 =	simm.s32 @p0 $0x0;
	s25 =	smulhi.u32 $0x97B425F, s24  }
0xf: {  	s1 =	smul.u32 s1, s14  }
0x10: {  	s26 =	sand.u32 $0x7F, s8;
	s27 =	smul.u32 $0xD80, s25  }
0x11: {  	s29 =	rddreg [dreg:$0x1];
	s30 =	sor.u32 $0x8000, s16;
	s0 =	sor.u32 s26, s0  }
0x12: {  	s2 =	sand.u32 $0x3F, s25;
	s1 =	smul.u32 $0x55, s1;
	s0 =	ssub.s32 s0, s27  }
0x13: {  	s2 =	smul.u32 $0x1B0, s2;
	s28 =	sshrl.u32 s0, $0x3;
	s0 =	sand.u32 $0x7, s0  }
0x14: {  	s31 =	simm.s32 $0x36000;
	s6 =	sadd.s32 s29, s28;
	s0 =	sshll.u32 s0, $0x12  }
0x15: {  	s1 =	sand.u32 $0x3FFFFFFF, s1;
	s2 =	sadd.s32 s2, s6;
	s0 =	sor.u32 $0x80, s0  }
0x16: {  	[hbm4b:s2+s0] =	stream.strided.scatter [tilespmem:s30], [sflag:$0x2], s1, s31, s0, $0x20;
	[tilespmem:$0x10100] =	vst v63  }
.LBB1_12:
0x17: {  	p0 =	slt.u32 s7, $0x2  }
0x18: {  	s1 =	smov.u32 s13;
	s2 =	smov.u32 s12;
	p1 =	sgt.s32 @!p0 s13, $0x3F  }
0x19: {  	s0 =	sshra.s32 @!p0 s13, $0x1F;
	p2 =	sgt.s32 @!p0 s12, $0xD00;
	s6 =	sshra.s32 @!p0 s12, $0x1F  }
0x1a: {  	p1 =	por !p1, p0;
	s0 =	sand.u32 @!p0 s0, s13;
	p2 =	por !p2, p0  }
0x1b: {  	s6 =	sand.u32 @!p0 s6, s12;
	s1 =	simm.s32 @p1 $0x3F;
	s2 =	simm.s32 @p2 $0xD00  }
0x1c: {  	s0 =	ssub.s32 @!p0 s1, s0;
	s1 =	ssub.s32 @!p0 s2, s6  }
0x1d: {  	s2 =	sadd.s32 @!p0 $0xFFFFFFC1, s0;
	s0 =	ssub.s32 @!p0 $0x40, s0;
	s6 =	sadd.s32 @!p0 $0xFFFFF300, s1  }
0x1e: {  	p1 =	sgt.s32 @!p0 s2, $0x0;
	s0 =	smul.u32 @!p0 $0x55, s0;
	p2 =	sgt.s32 @!p0 s6, $0x7F  }
0x1f: {  	s1 =	ssub.s32 @!p0 $0xD80, s1;
	p1 =	por !p1, p0;
	p2 =	por !p2, p0  }
0x20: {  	s0 =	simm.s32 @!p1 $0x0;
	s1 =	simm.s32 @!p2 $0x0  }
0x21: {  	s0 =	smul.u32 @!p0 s1, s0;
	s1 =	sadd.s32 $0x80, s9  }
0x22: {  	s14 =	smov.u32 s11;
	s6 =	sadd.s32 $0x20, s11;
	p1 =	sgt.s32 s1, $0xD33  }
0x23: {  	s14 =	smov.u32 @p1 s6  }
0x24: {  	s7 =	sadd.s32 $0x1, s7;
	s1 =	simm.s32 @p1 $0x0;
	p1 =	sgt.s32 s14, $0x3F  }
0x25: {  	s14 =	smov.u32 @p1 s5;
	p1 =	sne.s32 s7, $0x38  }
.Ltmp1:
0x26: {  	_ = 	snop;
	(pc) =	sbr.rel @!p1 .LBB1_13-.Ltmp1, $4  }
0x27: {  	s12 =	smov.u32 s8;
	s2 =	simm.s32 @!p0 $0x2;
	s0 =	sand.u32 @!p0 $0x3FFFFFFF, s0  }
0x28: {  	s13 =	smov.u32 s10;
	s8 =	smov.u32 s9;
	_ =	swait.ge @!p0 [sflag:s2], s0  }
0x29: {  	s10 =	smov.u32 s11;
	s0 =	ssub.s32 @!p0 $0x0, s0;
	[sflag:s2] =	ssyncset.done @!p0 $0x0  }
0x2a: {  	s9 =	smov.u32 s1;
	[sflag:s2] =	ssyncadd.s32 @!p0 s0;
	s11 =	smov.u32 s14  }
.LBB1_1:
0x2b: {  	p0 =	sgt.u32 s7, $0x35;
	s1 =	smov.u32 s11  }
0x2c: {  	s15 =	smov.u32 s9;
	p1 =	sgt.s32 @!p0 s11, $0x3F;
	s0 =	sand.u32 @!p0 $0x1FFFFFF, s9  }
0x2d: {  	s14 =	sshra.s32 @!p0 s11, $0x1F;
	s16 =	sshra.s32 @!p0 s9, $0x1F;
	p1 =	por !p1, p0  }
0x2e: {  	s2 =	smulhi.u32 @!p0 $0x9AEE73, s0;
	s1 =	simm.s32 @p1 $0x3F;
	p1 =	sgt.s32 @!p0 s9, $0xCB8  }
0x2f: {  	s14 =	sand.u32 @!p0 s14, s11;
	s16 =	sand.u32 @!p0 s16, s9;
	p1 =	por !p1, p0  }
0x30: {  	s1 =	ssub.s32 @!p0 s1, s14;
	s2 =	sshrl.u32 @!p0 s2, $0x3;
	s15 =	simm.s32 @p1 $0xCB8  }
0x31: {  	s1 =	sadd.s32 @!p0 $0xFFFFFFC1, s1;
	s2 =	smul.u32 @!p0 $0xD38, s2;
	s14 =	ssub.s32 @!p0 s15, s16  }
0x32: {  	p1 =	sgt.s32 @!p0 s1, $0x0;
	s1 =	sshll.u32 @!p0 s1, $0x7;
	s15 =	sadd.s32 @!p0 $0xFFFFF348, s14  }
0x33: {  	s16 =	smul.u32 @!p0 $0xD380, s11;
	s14 =	ssub.s32 @!p0 $0xD38, s14;
	p2 =	sgt.s32 @!p0 s15, $0x7F  }
0x34: {  	s1 =	ssub.s32 @!p0 $0x80, s1;
	p1 =	por !p1, p0;
	p2 =	por !p2, p0  }
0x35: {  	s15 =	sxor.u32 @!p0 $0xFFFFFFFF, s7;
	s1 =	simm.s32 @!p1 $0x0;
	s14 =	simm.s32 @!p2 $0x0  }
0x36: {  	s0 =	ssub.s32 @!p0 s0, s2;
	s2 =	sshll.u32 @!p0 s15, $0xE;
	s1 =	smul.u32 @!p0 s14, s1  }
0x37: {  	s0 =	sshll.u32 @!p0 s0, $0x4;
	s2 =	sand.u32 @!p0 $0x4000, s2;
	s14 =	sadd.s32 @!p0 s3, s16  }
0x38: {  	s0 =	sadd.s32 @!p0 s0, s14;
	s14 =	simm.s32 @!p0 $0x0;
	s1 =	sand.u32 @!p0 $0x3FFFFF80, s1  }
0x39: {  	[tilespmem:s2], [sflag:$0x1] =	stream.linear.gather @!p0 [hbm4b:s0+s14], s1, $0x38;
	[tilespmem:$0x10100] =	vst v63  }
0x3a: {  	p0 =	seq.s32 s7, $0x0  }
0x3b: {  	p1 =	seq.s32 @!p0 s7, $0x37  }
0x3c: {  	p0 =	por p0, p1  }
.Ltmp2:
0x3d: {  	_ = 	snop;
	(pc) =	sbr.rel @p0 .LBB1_12-.Ltmp2, $1  }
0x3e: {  	_ =	sdelay $0x3  }
0x3f: {  	p0 =	sgt.s32 s10, $0x3F  }
0x40: {  	s0 =	smov.u32 s10;
	s1 =	sshra.s32 s10, $0x1F;
	s2 =	ssub.s32 $0x0, s8  }
0x41: {  	s14 =	sshra.s32 s8, $0x1F;
	s0 =	simm.s32 @!p0 $0x3F;
	s1 =	sand.u32 s1, s10  }
0x42: {  	s16 =	smov.u32 s8;
	p0 =	sgt.s32 s8, $0xCB8;
	s0 =	ssub.s32 s0, s1  }
0x43: {  	s15 =	sand.u32 s2, s14;
	s16 =	simm.s32 @!p0 $0xCB8;
	s1 =	sadd.s32 $0xFFFFFFC1, s0  }
0x44: {  	s2 =	sadd.s32 s15, s16;
	s14 =	ssub.s32 $0x40, s0;
	p0 =	sgt.s32 s1, $0x0  }
0x45: {  	s30 =	sadd.s32 $0xFFFFF348, s2;
	s0 =	ssub.s32 $0xD38, s2;
	s1 =	sadd.s32 $0x1, s10  }
0x46: {  	s2 =	sadd.s32 $0x80, s8;
	s14 =	simm.s32 @p0 $0x0;
	p0 =	slt.s32 s1, $0x40  }
0x47: {  	s1 =	simm.s32 @!p0 $0x40;
	p0 =	slt.s32 s2, $0xD34  }
0x48: {  	p1 =	sgt.s32 s30, $0x7F;
	s17 =	ssub.s32 s1, s10;
	s2 =	simm.s32 @!p0 $0xD34  }
0x49: {  	s0 =	simm.s32 @p1 $0x0;
	s18 =	ssub.s32 s2, s8;
	p0 =	slt.s32 s17, $0x1  }
0x4a: {  	s0 =	smul.u32 s0, s14;
	p1 =	slt.s32 @!p0 s18, $0x1  }
0x4b: {  	p1 =	por p0, p1  }
.Ltmp3:
0x4c: {  	s0 =	sshll.u32 s0, $0x7;
	(pc) =	sbr.rel @p1 .LBB1_11-.Ltmp3, $4  }
0x4d: {  	s31 =	sand.u32 $0x3FFFFF80, s0  }
0x4e: {  	_ =	swait.ge [sflag:s4], s31  }
0x4f: {  	s0 =	sand.u32 $0x1, s7;
	s1 =	ssub.s32 $0x0, s31;
	[sflag:s4] =	ssyncset.done $0x0  }
0x50: {  	s16 =	smul.u32 $0x4080, s0;
	[sflag:s4] =	ssyncadd.s32 s1  }
0x51: {  	_ = 	snop  }
0x52: {  	s19 =	sshll.u32 @!p0 s0, $0xE;
	s22 =	simm.s32 $0x0;
	s20 =	sor.u32 @!p0 $0x8000, s16  }
.LBB1_4:
0x53: {  	s0 =	sshll.u32 s22, $0x10  }
0x54: {  	s0 =	sshra.s32 s0, $0x2  }
0x55: {  	s0 =	sadd.s32 s0, s19  }
0x56: {  	v0 =	vmov s0;
	_ =	sdelay $0x2  }
0x57: {  	s30 =	sand.u32 $0x7, s22  }
0x58: {  	s31 =	sand.u32 $0x3F80, s21;
	p1 =	sne.s32 s18, $0x1;
	s0 =	smul.u32 $0x204, s30  }
.Ltmp4:
0x59: {  	v11 =	vld.idx.msk [tilespmem:v0+s31+$0x0 ss:$0x1], $0xffff;
	(pc) =	sbr.rel @!p1 .LBB1_5-.Ltmp4, $4  }
0x5a: {  	s1 =	simm.s32 $0x1;
	s0 =	sshrl.u32 s0, $0x2;
	v8 =	vld.idx.msk [tilespmem:v0+s31+$0x10 ss:$0x1], $0xffff  }
0x5b: {  	s2 =	simm.s32 $0x80;
	p0 =	por $0x0, $0x0;
	s28 =	sadd.s32 s0, s20;
	v9 =	vld.idx.msk [tilespmem:v0+s31+$0x20 ss:$0x1], $0xffff  }
0x5c: {  	s0 =	sand.u32 $0x7F, s21;
	s26 =	sadd.s32 $0x810, s28;
	s27 =	sadd.s32 $0x1020, s28;
	v10 =	vld.idx.msk [tilespmem:v0+s31+$0x30 ss:$0x1], $0xffff  }
0x5d: {  	s25 =	sadd.s32 $0x1830, s28;
	s24 =	sadd.s32 $0x2040, s28;
	s23 =	sadd.s32 $0x2850, s28;
	v7 =	vld.idx.msk [tilespmem:v0+s31+$0x40 ss:$0x1], $0xffff  }
0x5e: {  	_ =	sdelay $0x3  }
0x5f: {  	s30 =	sand.u32 $0x3F80, s2;
	s6 =	sadd.s32 s0, s28;
	v1 =	vld.idx.msk [tilespmem:v0+s31+$0x50 ss:$0x1], $0xffff;
	p1 =	sne.s32 s18, $0x2  }
.Ltmp5:
0x60: {  	v2 =	vld.idx.msk [tilespmem:v0+s30+$0x0 ss:$0x1], $0xffff;
	[tilespmem:s6+$0x0 ss:$0x81] =	vst.msk $0xffff, v11;
	s6 =	sadd.s32 s0, s26;
	(pc) =	sbr.rel @!p1 .LBB1_7-.Ltmp5, $4  }
0x61: {  	v3 =	vld.idx.msk [tilespmem:v0+s30+$0x10 ss:$0x1], $0xffff;
	[tilespmem:s6+$0x0 ss:$0x81] =	vst.msk $0xffff, v8;
	s6 =	sadd.s32 s0, s27  }
0x62: {  	v4 =	vld.idx.msk [tilespmem:v0+s30+$0x20 ss:$0x1], $0xffff;
	[tilespmem:s6+$0x0 ss:$0x81] =	vst.msk $0xffff, v9;
	s6 =	sadd.s32 s0, s25  }
0x63: {  	s31 =	simm.s32 $0x2;
	s29 =	sand.u32 $0x7F, s1;
	v5 =	vld.idx.msk [tilespmem:v0+s30+$0x30 ss:$0x1], $0xffff;
	[tilespmem:s6+$0x0 ss:$0x81] =	vst.msk $0xffff, v10;
	s6 =	sadd.s32 s0, s24  }
0x64: {  	s1 =	simm.s32 $0x100;
	s2 =	sadd.s32 s0, s23;
	p0 =	por $0x1, $0x1;
	v6 =	vld.idx.msk [tilespmem:v0+s30+$0x40 ss:$0x1], $0xffff;
	[tilespmem:s6+$0x0 ss:$0x81] =	vst.msk $0xffff, v7  }
.LBB1_8:
0x65: {  	s6 =	smov.u32 s31;
	s31 =	sadd.s32 $0x1, s31  }
0x66: {  	s0 =	sadd.s32 s29, s28;
	[tilespmem:s2+$0x0 ss:$0x81] =	vst.msk $0xffff, v1;
	v1 =	vld.idx.msk [tilespmem:v0+s30+$0x50 ss:$0x1], $0xffff;
	s30 =	sand.u32 $0x3F80, s1;
	p1 =	sne.s32 s18, s31  }
.Ltmp6:
0x67: {  	[tilespmem:s0+$0x0 ss:$0x81] =	vst.msk $0xffff, v2;
	v2 =	vld.idx.msk [tilespmem:v0+s30+$0x0 ss:$0x1], $0xffff;
	s0 =	sadd.s32 s29, s26;
	(pc) =	sbr.rel @p1 .LBB1_8-.Ltmp6, $4  }
0x68: {  	[tilespmem:s0+$0x0 ss:$0x81] =	vst.msk $0xffff, v3;
	v3 =	vld.idx.msk [tilespmem:v0+s30+$0x10 ss:$0x1], $0xffff;
	s0 =	sadd.s32 s29, s27  }
0x69: {  	[tilespmem:s0+$0x0 ss:$0x81] =	vst.msk $0xffff, v4;
	v4 =	vld.idx.msk [tilespmem:v0+s30+$0x20 ss:$0x1], $0xffff;
	s0 =	sadd.s32 s29, s25  }
0x6a: {  	[tilespmem:s0+$0x0 ss:$0x81] =	vst.msk $0xffff, v5;
	v5 =	vld.idx.msk [tilespmem:v0+s30+$0x30 ss:$0x1], $0xffff;
	s0 =	sadd.s32 s29, s24  }
0x6b: {  	s1 =	sadd.s32 $0x80, s1;
	s2 =	sadd.s32 s29, s23;
	s29 =	sand.u32 $0x7F, s6;
	[tilespmem:s0+$0x0 ss:$0x81] =	vst.msk $0xffff, v6;
	v6 =	vld.idx.msk [tilespmem:v0+s30+$0x40 ss:$0x1], $0xffff  }
0x6c: {  	_ =	sdelay $0x3  }
0x6d: {  	s0 =	smov.u32 s29;
	s31 =	smov.u32 s30;
	v11 =	vmovc v2;
	v8 =	vmovc v3;
	v9 =	vmov v4;
	v10 =	vmov v5;
	v7 =	vmov v6  }
.LBB1_10:
0x6e: {  	_ =	sdelay $0x2  }
0x6f: {  	s1 =	sadd.s32 s0, s28;
	[tilespmem:s2+$0x0 ss:$0x81] =	vst.msk @p0 $0xffff, v1;
	s22 =	sadd.s32 $0x1, s22  }
0x70: {  	v0 =	vld.idx.msk [tilespmem:v0+s31+$0x50 ss:$0x1], $0xffff;
	s26 =	sadd.s32 s0, s26;
	[tilespmem:s1+$0x0 ss:$0x81] =	vst.msk $0xffff, v11;
	p0 =	sne.s32 s22, s17  }
.Ltmp7:
0x71: {  	s28 =	sadd.s32 s0, s27;
	[tilespmem:s26+$0x0 ss:$0x81] =	vst.msk $0xffff, v8;
	(pc) =	sbr.rel @p0 .LBB1_4-.Ltmp7, $4  }
.Ltmp8:
0x72: {  	s29 =	sadd.s32 s0, s25;
	[tilespmem:s28+$0x0 ss:$0x81] =	vst.msk $0xffff, v9;
	(pc) =	sbr.rel @!p0 .LBB1_11-.Ltmp8, $4  }
0x73: {  	s30 =	sadd.s32 s0, s24;
	[tilespmem:s29+$0x0 ss:$0x81] =	vst.msk $0xffff, v10  }
0x74: {  	s31 =	sadd.s32 s0, s23;
	[tilespmem:s30+$0x0 ss:$0x81] =	vst.msk $0xffff, v7  }
0x75: {  	[tilespmem:s31+$0x0 ss:$0x81] =	vst.msk $0xffff, v0  }
0x76: {  	_ = 	snop  }
.LBB1_5:
.Ltmp9:
0x77: {  	(pc) =	sbr.rel .LBB1_10-.Ltmp9, $2  }
0x78: {  	_ =	sdelay $0x2  }
0x79: {  	_ = 	snop  }
.LBB1_7:
.Ltmp10:
0x7a: {  	_ = 	snop;
	(pc) =	sbr.rel .LBB1_10-.Ltmp10, $2  }
0x7b: {  	_ =	sdelay $0x2  }
0x7c: {  	s0 =	smov.u32 s29;
	s31 =	smov.u32 s30;
	v11 =	vmovc v2;
	v8 =	vmovc v3;
	v9 =	vmov v4;
	v10 =	vmov v5;
	v7 =	vmov v6  }
.LBB1_13:
0x7d: {  	_ =	sfence.sel $0x180000  }
0x7e: {  	s0 =	simm.s32 $0x1;
	[bflag:$0x0] =	sbarrier.arrive $0xFFFF  }
0x7f: {  	s30 =	simm.s32 $0x2;
	[sflag:s0] =	ssyncpa.u1 $0x1  }
0x80: {  	[sflag:s30] =	ssyncpa.u1 $0x1  }
0x81: {  	_ =	strace $0x9000004D  }
0x82: {  	s31 =	stileid.u32;
	[bflag:$0x2] =	sbarrier.arrive $0xFFFF  }
0x83: {  	p0 =	sne.s32 s31, $0x0;
	s0 =	rddreg [dreg:$0x2]  }
0x84: {  	s0 =	sadd.s32 @!p0 $0x100000, s0  }
0x85: {  	[sflag:s0] =	ssyncadd.tile.s32 @!p0 $0x1;
	_ =	shalt  }
.Lfunc_end1:
_tile_overlayer_lowered:
.L_overlay_start_2:
0x86: {  	(tag) =	ssettag $0x2  }
0x87: {  	s0 =	rddreg [dreg:$0x0];
	s2 =	stileid.u32  }
0x88: {  	s1 =	rddreg [dreg:$0x1];
	p0 =	sne.s32 s2, $0x0  }
0x89: {  	s3 =	rddreg [dreg:$0x2];
	[bflag:$0x3] =	sbarrier.arrive $0xFFFF;
	s2 =	simm.s32 @!p0 $0x1C01  }
0x8a: {  	[timem:s3], [sflag:s2] =	dma.local @!p0 [hbm:s0], s1  }
0x8b: {  	s0 =	simm.s32 @!p0 $0x1  }
0x8c: {  	_ =	swait.ge @!p0 [sflag:s0], s1  }
0x8d: {  	s1 =	ssub.s32 @!p0 $0x0, s1;
	[sflag:s0] =	ssyncset.done @!p0 $0x0  }
0x8e: {  	[sflag:s0] =	ssyncadd.s32 @!p0 s1  }
0x8f: {  	[bflag:$0x3] =	sbarrier.arrive $0xFFFF  }
0x90: {  	_ =	shalt  }

</sc_bundles>
